<compile_context>
chip_gen: v7x
topology: tpu7x:2x2x1
jax: 0.10.2.dev20260603
libtpu: 0.0.44.dev20260713+nightly
codegen_flags: <defaults>
</compile_context>

<pallas_src>
import functools

import jax
import jax.numpy as jnp
from jax import lax
from jax.experimental import pallas as pl
from jax.experimental.pallas import tpu as pltpu
from jax.experimental.pallas import tpu_sc as plsc

NC = 2
NS = 16
NW = NC * NS
K = 128
NP = 2


def _sc_aggregate(fh, sd, zeros, *, n, d, ew, n_acc):
    dh = d // NP
    rows_out = 1000
    n_tiles_out = n // rows_out
    ch = ew // K

    mesh = plsc.VectorSubcoreMesh(core_axis_name="c", subcore_axis_name="s")

    @functools.partial(
        pl.kernel,
        out_type=jax.ShapeDtypeStruct((NP, NC * n, dh), jnp.float32),
        mesh=mesh,
        scratch_types=[
            pltpu.VMEM_SHARED((n_acc, dh), jnp.float32),
            pltpu.VMEM_SHARED((n_acc, dh), jnp.float32),
            [pltpu.VMEM((2 * K,), jnp.int32)] * 4,
            [pltpu.VMEM((K, dh), jnp.float32)] * 2,
            [pltpu.SemaphoreType.DMA] * 2,
            [pltpu.SemaphoreType.DMA] * 2,
            [pltpu.SemaphoreType.DMA] * 4,
        ],
    )
    def sc_kernel(fh_hbm, sd_hbm, zero_hbm, out_hbm,
                  feat_s, acc, sd_v, rows_v, gsem, ssem, isem):
        c = lax.axis_index("c")
        s = lax.axis_index("s")
        wid = c * NS + s
        base2 = wid * ew * 2

        for p in range(NP):
            @pl.when(s < n_tiles_out)
            def _stage():
                pltpu.sync_copy(
                    fh_hbm.at[p, pl.ds(s * rows_out, rows_out)],
                    feat_s.at[pl.ds(s * rows_out, rows_out)])
                pltpu.sync_copy(zero_hbm,
                                acc.at[pl.ds(s * rows_out, rows_out)])
            plsc.subcore_barrier()

            def body(j0, b4, first):
                rp, rn = b4 % 2, (b4 + 1) % 2
                mN, mP = (b4 + 1) % 4, (b4 + 3) % 4
                pltpu.make_async_copy(sd_hbm.at[pl.ds(base2, 2 * K)],
                                      sd_v[mN], isem[mN]).wait()
                if not first:
                    pltpu.make_async_copy(
                        rows_v[rn], acc.at[sd_v[mN].at[pl.ds(K, K)]],
                        ssem[rn]).wait()
                pltpu.async_copy(feat_s.at[sd_v[mN].at[pl.ds(0, K)]],
                                 rows_v[rn], gsem[rn])
                pltpu.make_async_copy(feat_s.at[sd_v[b4].at[pl.ds(0, K)]],
                                      rows_v[rp], gsem[rp]).wait()
                pltpu.async_copy(rows_v[rp],
                                 acc.at[sd_v[b4].at[pl.ds(K, K)]],
                                 ssem[rp], add=True)
                nxt = base2 + jnp.minimum(j0 + b4 + 3, ch - 1) * 2 * K
                pltpu.async_copy(sd_hbm.at[pl.ds(nxt, 2 * K)],
                                 sd_v[mP], isem[mP])

            pltpu.sync_copy(sd_hbm.at[pl.ds(base2, 2 * K)], sd_v[0])
            for m in (1, 2):
                pltpu.async_copy(
                    sd_hbm.at[pl.ds(base2 + m * 2 * K, 2 * K)],
                    sd_v[m], isem[m])
            pltpu.async_copy(feat_s.at[sd_v[0].at[pl.ds(0, K)]],
                             rows_v[0], gsem[0])

            for b4 in range(4):
                body(0, b4, first=(b4 == 0))

            def quad(t, _):
                for b4 in range(4):
                    body(4 * t, b4, first=False)
                return ()

            lax.fori_loop(1, ch // 4, quad, (), unroll=False)

            pltpu.make_async_copy(feat_s.at[sd_v[0].at[pl.ds(0, K)]],
                                  rows_v[0], gsem[0]).wait()
            pltpu.make_async_copy(rows_v[1],
                                  acc.at[sd_v[3].at[pl.ds(K, K)]],
                                  ssem[1]).wait()
            for m in (1, 2):
                pltpu.make_async_copy(sd_hbm.at[pl.ds(base2, 2 * K)],
                                      sd_v[m], isem[m]).wait()

            plsc.subcore_barrier()

            @pl.when(s < n_tiles_out)
            def _copy_out():
                pltpu.sync_copy(
                    acc.at[pl.ds(s * rows_out, rows_out)],
                    out_hbm.at[p, pl.ds(c * n + s * rows_out, rows_out)])

            plsc.subcore_barrier()

    return sc_kernel(fh, sd, zeros)


def _tc_linear(feat, hp, norm, w1, w2, b1, b2, *, n, d, blk):
    nb = n // blk
    dh = d // NP

    def body(feat_ref, h00_ref, h01_ref, h10_ref, h11_ref, norm_ref,
             w1_ref, w2_ref, b1_ref, b2_ref, out_ref):
        ah = jnp.concatenate(
            [h00_ref[0] + h01_ref[0], h10_ref[0] + h11_ref[0]],
            axis=-1) / norm_ref[...]
        dn = (((1,), (1,)), ((), ()))
        out_ref[...] = (
            lax.dot_general(feat_ref[...], w1_ref[...], dn,
                            preferred_element_type=jnp.float32)
            + lax.dot_general(ah, w2_ref[...], dn,
                              preferred_element_type=jnp.float32)
            + b1_ref[...] + b2_ref[...])

    return pl.pallas_call(
        body,
        grid=(nb,),
        in_specs=[
            pl.BlockSpec((blk, d), lambda i: (i, 0)),
            pl.BlockSpec((1, blk, dh), lambda i: (0, i, 0)),
            pl.BlockSpec((1, blk, dh), lambda i: (0, i + nb, 0)),
            pl.BlockSpec((1, blk, dh), lambda i: (1, i, 0)),
            pl.BlockSpec((1, blk, dh), lambda i: (1, i + nb, 0)),
            pl.BlockSpec((blk, 1), lambda i: (i, 0)),
            pl.BlockSpec((d, d), lambda i: (0, 0)),
            pl.BlockSpec((d, d), lambda i: (0, 0)),
            pl.BlockSpec((1, d), lambda i: (0, 0)),
            pl.BlockSpec((1, d), lambda i: (0, 0)),
        ],
        out_specs=pl.BlockSpec((blk, d), lambda i: (i, 0)),
        out_shape=jax.ShapeDtypeStruct((n, d), jnp.float32),
    )(feat, hp, hp, hp, hp, norm, w1, w2, b1, b2)


def kernel(feat, edge_index, in_norm, W1, b1, W2, b2):
    n, d = feat.shape
    e = edge_index.shape[1]
    dh = d // NP

    ew = -(-e // (NW * K * 4)) * (K * 4)
    pad = NW * ew - e
    src = jnp.concatenate([edge_index[0],
                           jnp.zeros((pad,), jnp.int32)])
    dst = jnp.concatenate([edge_index[1],
                           jnp.full((pad,), n, jnp.int32)])

    rows_z = -(-(n + 1) // (NS * 8)) * 8
    n_pad = rows_z * NS

    fh = jnp.stack([feat[:, p * dh:(p + 1) * dh] for p in range(NP)])
    zeros = jnp.zeros((1000, dh), jnp.float32)

    sd = jnp.concatenate([src.reshape(-1, 1, K), dst.reshape(-1, 1, K)],
                         axis=1).reshape(-1)
    hp = _sc_aggregate(fh, sd, zeros, n=n, d=d, ew=ew, n_acc=n_pad)
    return _tc_linear(feat, hp, in_norm[:, None], W1, W2,
                      b1[None, :], b2[None, :], n=n, d=d, blk=2000)

# --- scband reference (transcript-rebuilt; emitter-appended) ---
"""Pipeline reference for scband-graph-sagelayer-22565758173856 (READ-ONLY COPY).

The authoritative reference and input builder live on the scoring server;
editing this copy changes nothing except your own understanding.
"""

import jax, jax.numpy as jnp
import numpy as np

N = 10000
E = 320000
D_IN = 128
D_OUT = 128


def setup_inputs(seed: int = 0) -> dict:
    key = jax.random.key(seed)
    k1, k2, k3, k4, k5, k6 = jax.random.split(key, 6)
    feat = jax.random.normal(k1, (N, D_IN), dtype=jnp.float32)
    edge_index = jax.random.randint(k2, (2, E), 0, N, dtype=jnp.int32)
    in_norm = jnp.ones((N,), dtype=jnp.float32)
    stdv = 1.0 / np.sqrt(D_IN)
    W1 = jax.random.uniform(k3, (D_OUT, D_IN), minval=-stdv, maxval=stdv, dtype=jnp.float32)
    b1 = jax.random.uniform(k4, (D_OUT,), minval=-stdv, maxval=stdv, dtype=jnp.float32)
    W2 = jax.random.uniform(k5, (D_OUT, D_IN), minval=-stdv, maxval=stdv, dtype=jnp.float32)
    b2 = jax.random.uniform(k6, (D_OUT,), minval=-stdv, maxval=stdv, dtype=jnp.float32)
    return {"feat": feat, "edge_index": edge_index, "in_norm": in_norm,
            "W1": W1, "b1": b1, "W2": W2, "b2": b2}


def reference(feat, edge_index, in_norm, W1, b1, W2, b2):
    # GraphSAGELayer, training path, use_pp=False, full graph (num_dst == N):
    #   copy_u + sum aggregation == scatter-add of src features into dst nodes
    src = edge_index[0]
    dst = edge_index[1]
    msgs = jnp.take(feat, src, axis=0)                       # gather  [E, D]
    h = jax.ops.segment_sum(msgs, dst, num_segments=feat.shape[0])  # scatter-add [N, D]
    degs = in_norm[:, None]
    ah = h / degs
    out = feat @ W1.T + b1 + ah @ W2.T + b2
    return out

if __name__ == "__main__":
    import jax
    _d = setup_inputs()
    print(jax.jit(kernel)(*tuple(_d.values())))

</pallas_src>

<mosaic_0001>
#map = affine_map<(d0, d1) -> (0, 0, 0)>
#map1 = affine_map<(d0, d1) -> (0)>
#map2 = affine_map<(d0, d1) -> (0, 0)>
module attributes {stable_mosaic.version = 14 : i64} {
  func.func @sc_kernel(%arg0: i32, %arg1: i32, %arg2: memref<2x10000x64xf32, #tpu.memory_space<hbm>>, %arg3: memref<655360xi32, #tpu.memory_space<hbm>>, %arg4: memref<1000x64xf32, #tpu.memory_space<hbm>>, %arg5: memref<2x20000x64xf32, #tpu.memory_space<hbm>>, %arg6: memref<10112x64xf32, #tpu.memory_space<vmem_shared>>, %arg7: memref<10112x64xf32, #tpu.memory_space<vmem_shared>>, %arg8: memref<256xi32, #tpu.memory_space<vmem>>, %arg9: memref<256xi32, #tpu.memory_space<vmem>>, %arg10: memref<256xi32, #tpu.memory_space<vmem>>, %arg11: memref<256xi32, #tpu.memory_space<vmem>>, %arg12: memref<128x64xf32, #tpu.memory_space<vmem>>, %arg13: memref<128x64xf32, #tpu.memory_space<vmem>>, %arg14: memref<!tpu.dma_semaphore, #tpu.memory_space<semaphore_mem>>, %arg15: memref<!tpu.dma_semaphore, #tpu.memory_space<semaphore_mem>>, %arg16: memref<!tpu.dma_semaphore, #tpu.memory_space<semaphore_mem>>, %arg17: memref<!tpu.dma_semaphore, #tpu.memory_space<semaphore_mem>>, %arg18: memref<!tpu.dma_semaphore, #tpu.memory_space<semaphore_mem>>, %arg19: memref<!tpu.dma_semaphore, #tpu.memory_space<semaphore_mem>>, %arg20: memref<!tpu.dma_semaphore, #tpu.memory_space<semaphore_mem>>, %arg21: memref<!tpu.dma_semaphore, #tpu.memory_space<semaphore_mem>>) attributes {dimension_semantics = [#tpu.dimension_semantics<core_parallel>, #tpu.dimension_semantics<subcore_parallel>], iteration_bounds = array<i64: 2, 16>, scalar_prefetch = 0 : i64, scratch_operands = 16 : i64, tpu.core_type = #tpu.core_type<sc_vector_subcore>, window_params = [{transform_indices = #map}, {transform_indices = #map1}, {transform_indices = #map2}, {transform_indices = #map}]} {
    %mul3A = arith.constant 16 : i32
    %mul3A_0 = arith.muli %arg0, %mul3A : i32
    %add3A = arith.addi %mul3A_0, %arg1 : i32
    %mul3A_1 = arith.constant 10240 : i32
    %mul3A_2 = arith.muli %add3A, %mul3A_1 : i32
    %mul3A_3 = arith.constant 2 : i32
    %mul3A_4 = arith.muli %mul3A_2, %mul3A_3 : i32
    %lt3A = arith.constant 10 : i32
    %lt3A_5 = arith.cmpi slt, %arg1, %lt3A : i32
    %convert_element_type3A = arith.extui %lt3A_5 : i1 to i32
    %cond3A = arith.constant 0 : i32
    %cond3A_6 = arith.cmpi ne, %convert_element_type3A, %cond3A : i32
    scf.if %cond3A_6 {
      %mul3A_333 = arith.constant 1000 : i32
      %mul3A_334 = arith.muli %arg1, %mul3A_333 : i32
      %mul3A_335 = arith.constant 1000 : i32
      %mul3A_336 = arith.muli %arg1, %mul3A_335 : i32
      %run_scoped3A = arith.constant 0 : i32
      "tpu.region"() ({
        %run_scoped3A_339 = tpu.sem_alloc : memref<!tpu.dma_semaphore, #tpu.memory_space<semaphore_mem>>
        %dma_start3A_340 = arith.constant 0 : i32
        %dma_start3A_341 = tpu.memref_slice %arg6[%mul3A_336, %dma_start3A_340] : memref<10112x64xf32, #tpu.memory_space<vmem_shared>> -> memref<1000x64xf32, #tpu.memory_space<vmem_shared>>
        %dma_start3A_342 = arith.constant 0 : i32
        %dma_start3A_343 = tpu.memref_slice %arg2[%run_scoped3A, %mul3A_334, %dma_start3A_342] : memref<2x10000x64xf32, #tpu.memory_space<hbm>> -> memref<1x1000x64xf32, #tpu.memory_space<hbm>>
        %dma_start3A_344 = tpu.memref_squeeze %dma_start3A_343 : memref<1x1000x64xf32, #tpu.memory_space<hbm>> -> memref<1000x64xf32, #tpu.memory_space<hbm>>
        tpu.enqueue_dma source(%dma_start3A_344 : memref<1000x64xf32, #tpu.memory_space<hbm>>) target(%dma_start3A_341 : memref<1000x64xf32, #tpu.memory_space<vmem_shared>>) target_semaphore(%run_scoped3A_339 : memref<!tpu.dma_semaphore, #tpu.memory_space<semaphore_mem>>)
        %dma_wait3A_345 = arith.constant 0 : i32
        %dma_wait3A_346 = tpu.memref_slice %arg6[%mul3A_336, %dma_wait3A_345] : memref<10112x64xf32, #tpu.memory_space<vmem_shared>> -> memref<1000x64xf32, #tpu.memory_space<vmem_shared>>
        %dma_wait3A_347 = arith.constant 0 : i32
        %dma_wait3A_348 = tpu.memref_slice %arg2[%run_scoped3A, %mul3A_334, %dma_wait3A_347] : memref<2x10000x64xf32, #tpu.memory_space<hbm>> -> memref<1x1000x64xf32, #tpu.memory_space<hbm>>
        %dma_wait3A_349 = tpu.memref_squeeze %dma_wait3A_348 : memref<1x1000x64xf32, #tpu.memory_space<hbm>> -> memref<1000x64xf32, #tpu.memory_space<hbm>>
        tpu.wait_dma2 semaphore(%run_scoped3A_339 : memref<!tpu.dma_semaphore, #tpu.memory_space<semaphore_mem>>) src(%dma_wait3A_349 : memref<1000x64xf32, #tpu.memory_space<hbm>>) dst(%dma_wait3A_346 : memref<1000x64xf32, #tpu.memory_space<vmem_shared>>)
        tpu.yield
      }) : () -> ()
      %mul3A_337 = arith.constant 1000 : i32
      %mul3A_338 = arith.muli %arg1, %mul3A_337 : i32
      "tpu.region"() ({
        %run_scoped3A_339 = tpu.sem_alloc : memref<!tpu.dma_semaphore, #tpu.memory_space<semaphore_mem>>
        %dma_start3A_340 = arith.constant 0 : i32
        %dma_start3A_341 = tpu.memref_slice %arg7[%mul3A_338, %dma_start3A_340] : memref<10112x64xf32, #tpu.memory_space<vmem_shared>> -> memref<1000x64xf32, #tpu.memory_space<vmem_shared>>
        tpu.enqueue_dma source(%arg4 : memref<1000x64xf32, #tpu.memory_space<hbm>>) target(%dma_start3A_341 : memref<1000x64xf32, #tpu.memory_space<vmem_shared>>) target_semaphore(%run_scoped3A_339 : memref<!tpu.dma_semaphore, #tpu.memory_space<semaphore_mem>>)
        %dma_wait3A_342 = arith.constant 0 : i32
        %dma_wait3A_343 = tpu.memref_slice %arg7[%mul3A_338, %dma_wait3A_342] : memref<10112x64xf32, #tpu.memory_space<vmem_shared>> -> memref<1000x64xf32, #tpu.memory_space<vmem_shared>>
        tpu.wait_dma2 semaphore(%run_scoped3A_339 : memref<!tpu.dma_semaphore, #tpu.memory_space<semaphore_mem>>) src(%arg4 : memref<1000x64xf32, #tpu.memory_space<hbm>>) dst(%dma_wait3A_343 : memref<1000x64xf32, #tpu.memory_space<vmem_shared>>)
        tpu.yield
      }) : () -> ()
    } else {
    }
    %barrier3A = arith.constant 0 : index
    tpu.barrier barrier_id(%barrier3A)
    "tpu.region"() ({
      %run_scoped3A = tpu.sem_alloc : memref<!tpu.dma_semaphore, #tpu.memory_space<semaphore_mem>>
      %dma_start3A_333 = tpu.memref_slice %arg3[%mul3A_4] : memref<655360xi32, #tpu.memory_space<hbm>> -> memref<256xi32, #tpu.memory_space<hbm>>
      %dma_start3A_334 = tpu.memref_slice %arg3[%mul3A_4] : memref<655360xi32, #tpu.memory_space<hbm>> -> memref<256xi32, #tpu.memory_space<hbm>>
      tpu.enqueue_dma source(%dma_start3A_334 : memref<256xi32, #tpu.memory_space<hbm>>) target(%arg8 : memref<256xi32, #tpu.memory_space<vmem>>) target_semaphore(%run_scoped3A : memref<!tpu.dma_semaphore, #tpu.memory_space<semaphore_mem>>)
      %dma_wait3A_335 = tpu.memref_slice %arg3[%mul3A_4] : memref<655360xi32, #tpu.memory_space<hbm>> -> memref<256xi32, #tpu.memory_space<hbm>>
      %dma_wait3A_336 = tpu.memref_slice %arg3[%mul3A_4] : memref<655360xi32, #tpu.memory_space<hbm>> -> memref<256xi32, #tpu.memory_space<hbm>>
      tpu.wait_dma2 semaphore(%run_scoped3A : memref<!tpu.dma_semaphore, #tpu.memory_space<semaphore_mem>>) src(%dma_wait3A_336 : memref<256xi32, #tpu.memory_space<hbm>>) dst(%arg8 : memref<256xi32, #tpu.memory_space<vmem>>)
      tpu.yield
    }) : () -> ()
    %add3A_7 = arith.constant 256 : i32
    %add3A_8 = arith.addi %mul3A_4, %add3A_7 : i32
    %dma_start3A = tpu.memref_slice %arg3[%add3A_8] : memref<655360xi32, #tpu.memory_space<hbm>> -> memref<256xi32, #tpu.memory_space<hbm>>
    %dma_start3A_9 = tpu.memref_slice %arg3[%add3A_8] : memref<655360xi32, #tpu.memory_space<hbm>> -> memref<256xi32, #tpu.memory_space<hbm>>
    tpu.enqueue_dma source(%dma_start3A_9 : memref<256xi32, #tpu.memory_space<hbm>>) target(%arg9 : memref<256xi32, #tpu.memory_space<vmem>>) target_semaphore(%arg19 : memref<!tpu.dma_semaphore, #tpu.memory_space<semaphore_mem>>)
    %add3A_10 = arith.constant 512 : i32
    %add3A_11 = arith.addi %mul3A_4, %add3A_10 : i32
    %dma_start3A_12 = tpu.memref_slice %arg3[%add3A_11] : memref<655360xi32, #tpu.memory_space<hbm>> -> memref<256xi32, #tpu.memory_space<hbm>>
    %dma_start3A_13 = tpu.memref_slice %arg3[%add3A_11] : memref<655360xi32, #tpu.memory_space<hbm>> -> memref<256xi32, #tpu.memory_space<hbm>>
    tpu.enqueue_dma source(%dma_start3A_13 : memref<256xi32, #tpu.memory_space<hbm>>) target(%arg10 : memref<256xi32, #tpu.memory_space<vmem>>) target_semaphore(%arg20 : memref<!tpu.dma_semaphore, #tpu.memory_space<semaphore_mem>>)
    %dma_start3A_14 = arith.constant 0 : i32
    %dma_start3A_15 = tpu.memref_slice %arg8[%dma_start3A_14] : memref<256xi32, #tpu.memory_space<vmem>> -> memref<128xi32, #tpu.memory_space<vmem>>
    %dma_start3A_16 = arith.constant 0 : i32
    %dma_start3A_17 = arith.constant 0 : i32
    %dma_start3A_18 = tpu.memref_slice %arg6[%dma_start3A_16, %dma_start3A_17] : memref<10112x64xf32, #tpu.memory_space<vmem_shared>> -> memref<10112x64xf32, #tpu.memory_space<vmem_shared>>
    tpu.enqueue_indirect_dma source(%dma_start3A_18 : memref<10112x64xf32, #tpu.memory_space<vmem_shared>>) target(%arg12 : memref<128x64xf32, #tpu.memory_space<vmem>>) offsets(%dma_start3A_15 : memref<128xi32, #tpu.memory_space<vmem>>) semaphore(%arg14 : memref<!tpu.dma_semaphore, #tpu.memory_space<semaphore_mem>>)
    %dma_wait3A = tpu.memref_slice %arg3[%mul3A_4] : memref<655360xi32, #tpu.memory_space<hbm>> -> memref<256xi32, #tpu.memory_space<hbm>>
    %dma_wait3A_19 = tpu.memref_slice %arg3[%mul3A_4] : memref<655360xi32, #tpu.memory_space<hbm>> -> memref<256xi32, #tpu.memory_space<hbm>>
    tpu.wait_dma2 semaphore(%arg19 : memref<!tpu.dma_semaphore, #tpu.memory_space<semaphore_mem>>) src(%dma_wait3A_19 : memref<256xi32, #tpu.memory_space<hbm>>) dst(%arg9 : memref<256xi32, #tpu.memory_space<vmem>>)
    %dma_start3A_20 = arith.constant 0 : i32
    %dma_start3A_21 = tpu.memref_slice %arg9[%dma_start3A_20] : memref<256xi32, #tpu.memory_space<vmem>> -> memref<128xi32, #tpu.memory_space<vmem>>
    %dma_start3A_22 = arith.constant 0 : i32
    %dma_start3A_23 = arith.constant 0 : i32
    %dma_start3A_24 = tpu.memref_slice %arg6[%dma_start3A_22, %dma_start3A_23] : memref<10112x64xf32, #tpu.memory_space<vmem_shared>> -> memref<10112x64xf32, #tpu.memory_space<vmem_shared>>
    tpu.enqueue_indirect_dma source(%dma_start3A_24 : memref<10112x64xf32, #tpu.memory_space<vmem_shared>>) target(%arg13 : memref<128x64xf32, #tpu.memory_space<vmem>>) offsets(%dma_start3A_21 : memref<128xi32, #tpu.memory_space<vmem>>) semaphore(%arg15 : memref<!tpu.dma_semaphore, #tpu.memory_space<semaphore_mem>>)
    %dma_wait3A_25 = arith.constant 0 : i32
    %dma_wait3A_26 = tpu.memref_slice %arg8[%dma_wait3A_25] : memref<256xi32, #tpu.memory_space<vmem>> -> memref<128xi32, #tpu.memory_space<vmem>>
    %dma_wait3A_27 = arith.constant 0 : i32
    %dma_wait3A_28 = arith.constant 0 : i32
    %dma_wait3A_29 = tpu.memref_slice %arg6[%dma_wait3A_27, %dma_wait3A_28] : memref<10112x64xf32, #tpu.memory_space<vmem_shared>> -> memref<10112x64xf32, #tpu.memory_space<vmem_shared>>
    tpu.wait_indirect_dma semaphore(%arg14 : memref<!tpu.dma_semaphore, #tpu.memory_space<semaphore_mem>>) src(%dma_wait3A_29 : memref<10112x64xf32, #tpu.memory_space<vmem_shared>>) dst(%arg12 : memref<128x64xf32, #tpu.memory_space<vmem>>)
    %dma_start3A_30 = arith.constant 128 : i32
    %dma_start3A_31 = tpu.memref_slice %arg8[%dma_start3A_30] : memref<256xi32, #tpu.memory_space<vmem>> -> memref<128xi32, #tpu.memory_space<vmem>>
    %dma_start3A_32 = arith.constant 0 : i32
    %dma_start3A_33 = arith.constant 0 : i32
    %dma_start3A_34 = tpu.memref_slice %arg7[%dma_start3A_32, %dma_start3A_33] : memref<10112x64xf32, #tpu.memory_space<vmem_shared>> -> memref<10112x64xf32, #tpu.memory_space<vmem_shared>>
    tpu.enqueue_indirect_dma source(%arg12 : memref<128x64xf32, #tpu.memory_space<vmem>>) target(%dma_start3A_34 : memref<10112x64xf32, #tpu.memory_space<vmem_shared>>) offsets(%dma_start3A_31 : memref<128xi32, #tpu.memory_space<vmem>>) semaphore(%arg16 : memref<!tpu.dma_semaphore, #tpu.memory_space<semaphore_mem>>) {add = true}
    %min3A = arith.constant 3 : i32
    %min3A_35 = arith.constant 79 : i32
    %min3A_36 = arith.minsi %min3A, %min3A_35 : i32
    %mul3A_37 = arith.constant 2 : i32
    %mul3A_38 = arith.muli %min3A_36, %mul3A_37 : i32
    %mul3A_39 = arith.constant 128 : i32
    %mul3A_40 = arith.muli %mul3A_38, %mul3A_39 : i32
    %add3A_41 = arith.addi %mul3A_4, %mul3A_40 : i32
    %dma_start3A_42 = tpu.memref_slice %arg3[%add3A_41] : memref<655360xi32, #tpu.memory_space<hbm>> -> memref<256xi32, #tpu.memory_space<hbm>>
    %dma_start3A_43 = tpu.memref_slice %arg3[%add3A_41] : memref<655360xi32, #tpu.memory_space<hbm>> -> memref<256xi32, #tpu.memory_space<hbm>>
    tpu.enqueue_dma source(%dma_start3A_43 : memref<256xi32, #tpu.memory_space<hbm>>) target(%arg11 : memref<256xi32, #tpu.memory_space<vmem>>) target_semaphore(%arg21 : memref<!tpu.dma_semaphore, #tpu.memory_space<semaphore_mem>>)
    %dma_wait3A_44 = tpu.memref_slice %arg3[%mul3A_4] : memref<655360xi32, #tpu.memory_space<hbm>> -> memref<256xi32, #tpu.memory_space<hbm>>
    %dma_wait3A_45 = tpu.memref_slice %arg3[%mul3A_4] : memref<655360xi32, #tpu.memory_space<hbm>> -> memref<256xi32, #tpu.memory_space<hbm>>
    tpu.wait_dma2 semaphore(%arg20 : memref<!tpu.dma_semaphore, #tpu.memory_space<semaphore_mem>>) src(%dma_wait3A_45 : memref<256xi32, #tpu.memory_space<hbm>>) dst(%arg10 : memref<256xi32, #tpu.memory_space<vmem>>)
    %dma_wait3A_46 = arith.constant 128 : i32
    %dma_wait3A_47 = tpu.memref_slice %arg10[%dma_wait3A_46] : memref<256xi32, #tpu.memory_space<vmem>> -> memref<128xi32, #tpu.memory_space<vmem>>
    %dma_wait3A_48 = arith.constant 0 : i32
    %dma_wait3A_49 = arith.constant 0 : i32
    %dma_wait3A_50 = tpu.memref_slice %arg7[%dma_wait3A_48, %dma_wait3A_49] : memref<10112x64xf32, #tpu.memory_space<vmem_shared>> -> memref<10112x64xf32, #tpu.memory_space<vmem_shared>>
    tpu.wait_indirect_dma semaphore(%arg16 : memref<!tpu.dma_semaphore, #tpu.memory_space<semaphore_mem>>) src(%arg12 : memref<128x64xf32, #tpu.memory_space<vmem>>) dst(%dma_wait3A_50 : memref<10112x64xf32, #tpu.memory_space<vmem_shared>>)
    %dma_start3A_51 = arith.constant 0 : i32
    %dma_start3A_52 = tpu.memref_slice %arg10[%dma_start3A_51] : memref<256xi32, #tpu.memory_space<vmem>> -> memref<128xi32, #tpu.memory_space<vmem>>
    %dma_start3A_53 = arith.constant 0 : i32
    %dma_start3A_54 = arith.constant 0 : i32
    %dma_start3A_55 = tpu.memref_slice %arg6[%dma_start3A_53, %dma_start3A_54] : memref<10112x64xf32, #tpu.memory_space<vmem_shared>> -> memref<10112x64xf32, #tpu.memory_space<vmem_shared>>
    tpu.enqueue_indirect_dma source(%dma_start3A_55 : memref<10112x64xf32, #tpu.memory_space<vmem_shared>>) target(%arg12 : memref<128x64xf32, #tpu.memory_space<vmem>>) offsets(%dma_start3A_52 : memref<128xi32, #tpu.memory_space<vmem>>) semaphore(%arg14 : memref<!tpu.dma_semaphore, #tpu.memory_space<semaphore_mem>>)
    %dma_wait3A_56 = arith.constant 0 : i32
    %dma_wait3A_57 = tpu.memref_slice %arg9[%dma_wait3A_56] : memref<256xi32, #tpu.memory_space<vmem>> -> memref<128xi32, #tpu.memory_space<vmem>>
    %dma_wait3A_58 = arith.constant 0 : i32
    %dma_wait3A_59 = arith.constant 0 : i32
    %dma_wait3A_60 = tpu.memref_slice %arg6[%dma_wait3A_58, %dma_wait3A_59] : memref<10112x64xf32, #tpu.memory_space<vmem_shared>> -> memref<10112x64xf32, #tpu.memory_space<vmem_shared>>
    tpu.wait_indirect_dma semaphore(%arg15 : memref<!tpu.dma_semaphore, #tpu.memory_space<semaphore_mem>>) src(%dma_wait3A_60 : memref<10112x64xf32, #tpu.memory_space<vmem_shared>>) dst(%arg13 : memref<128x64xf32, #tpu.memory_space<vmem>>)
    %dma_start3A_61 = arith.constant 128 : i32
    %dma_start3A_62 = tpu.memref_slice %arg9[%dma_start3A_61] : memref<256xi32, #tpu.memory_space<vmem>> -> memref<128xi32, #tpu.memory_space<vmem>>
    %dma_start3A_63 = arith.constant 0 : i32
    %dma_start3A_64 = arith.constant 0 : i32
    %dma_start3A_65 = tpu.memref_slice %arg7[%dma_start3A_63, %dma_start3A_64] : memref<10112x64xf32, #tpu.memory_space<vmem_shared>> -> memref<10112x64xf32, #tpu.memory_space<vmem_shared>>
    tpu.enqueue_indirect_dma source(%arg13 : memref<128x64xf32, #tpu.memory_space<vmem>>) target(%dma_start3A_65 : memref<10112x64xf32, #tpu.memory_space<vmem_shared>>) offsets(%dma_start3A_62 : memref<128xi32, #tpu.memory_space<vmem>>) semaphore(%arg17 : memref<!tpu.dma_semaphore, #tpu.memory_space<semaphore_mem>>) {add = true}
    %min3A_66 = arith.constant 4 : i32
    %min3A_67 = arith.constant 79 : i32
    %min3A_68 = arith.minsi %min3A_66, %min3A_67 : i32
    %mul3A_69 = arith.constant 2 : i32
    %mul3A_70 = arith.muli %min3A_68, %mul3A_69 : i32
    %mul3A_71 = arith.constant 128 : i32
    %mul3A_72 = arith.muli %mul3A_70, %mul3A_71 : i32
    %add3A_73 = arith.addi %mul3A_4, %mul3A_72 : i32
    %dma_start3A_74 = tpu.memref_slice %arg3[%add3A_73] : memref<655360xi32, #tpu.memory_space<hbm>> -> memref<256xi32, #tpu.memory_space<hbm>>
    %dma_start3A_75 = tpu.memref_slice %arg3[%add3A_73] : memref<655360xi32, #tpu.memory_space<hbm>> -> memref<256xi32, #tpu.memory_space<hbm>>
    tpu.enqueue_dma source(%dma_start3A_75 : memref<256xi32, #tpu.memory_space<hbm>>) target(%arg8 : memref<256xi32, #tpu.memory_space<vmem>>) target_semaphore(%arg18 : memref<!tpu.dma_semaphore, #tpu.memory_space<semaphore_mem>>)
    %dma_wait3A_76 = tpu.memref_slice %arg3[%mul3A_4] : memref<655360xi32, #tpu.memory_space<hbm>> -> memref<256xi32, #tpu.memory_space<hbm>>
    %dma_wait3A_77 = tpu.memref_slice %arg3[%mul3A_4] : memref<655360xi32, #tpu.memory_space<hbm>> -> memref<256xi32, #tpu.memory_space<hbm>>
    tpu.wait_dma2 semaphore(%arg21 : memref<!tpu.dma_semaphore, #tpu.memory_space<semaphore_mem>>) src(%dma_wait3A_77 : memref<256xi32, #tpu.memory_space<hbm>>) dst(%arg11 : memref<256xi32, #tpu.memory_space<vmem>>)
    %dma_wait3A_78 = arith.constant 128 : i32
    %dma_wait3A_79 = tpu.memref_slice %arg11[%dma_wait3A_78] : memref<256xi32, #tpu.memory_space<vmem>> -> memref<128xi32, #tpu.memory_space<vmem>>
    %dma_wait3A_80 = arith.constant 0 : i32
    %dma_wait3A_81 = arith.constant 0 : i32
    %dma_wait3A_82 = tpu.memref_slice %arg7[%dma_wait3A_80, %dma_wait3A_81] : memref<10112x64xf32, #tpu.memory_space<vmem_shared>> -> memref<10112x64xf32, #tpu.memory_space<vmem_shared>>
    tpu.wait_indirect_dma semaphore(%arg17 : memref<!tpu.dma_semaphore, #tpu.memory_space<semaphore_mem>>) src(%arg13 : memref<128x64xf32, #tpu.memory_space<vmem>>) dst(%dma_wait3A_82 : memref<10112x64xf32, #tpu.memory_space<vmem_shared>>)
    %dma_start3A_83 = arith.constant 0 : i32
    %dma_start3A_84 = tpu.memref_slice %arg11[%dma_start3A_83] : memref<256xi32, #tpu.memory_space<vmem>> -> memref<128xi32, #tpu.memory_space<vmem>>
    %dma_start3A_85 = arith.constant 0 : i32
    %dma_start3A_86 = arith.constant 0 : i32
    %dma_start3A_87 = tpu.memref_slice %arg6[%dma_start3A_85, %dma_start3A_86] : memref<10112x64xf32, #tpu.memory_space<vmem_shared>> -> memref<10112x64xf32, #tpu.memory_space<vmem_shared>>
    tpu.enqueue_indirect_dma source(%dma_start3A_87 : memref<10112x64xf32, #tpu.memory_space<vmem_shared>>) target(%arg13 : memref<128x64xf32, #tpu.memory_space<vmem>>) offsets(%dma_start3A_84 : memref<128xi32, #tpu.memory_space<vmem>>) semaphore(%arg15 : memref<!tpu.dma_semaphore, #tpu.memory_space<semaphore_mem>>)
    %dma_wait3A_88 = arith.constant 0 : i32
    %dma_wait3A_89 = tpu.memref_slice %arg10[%dma_wait3A_88] : memref<256xi32, #tpu.memory_space<vmem>> -> memref<128xi32, #tpu.memory_space<vmem>>
    %dma_wait3A_90 = arith.constant 0 : i32
    %dma_wait3A_91 = arith.constant 0 : i32
    %dma_wait3A_92 = tpu.memref_slice %arg6[%dma_wait3A_90, %dma_wait3A_91] : memref<10112x64xf32, #tpu.memory_space<vmem_shared>> -> memref<10112x64xf32, #tpu.memory_space<vmem_shared>>
    tpu.wait_indirect_dma semaphore(%arg14 : memref<!tpu.dma_semaphore, #tpu.memory_space<semaphore_mem>>) src(%dma_wait3A_92 : memref<10112x64xf32, #tpu.memory_space<vmem_shared>>) dst(%arg12 : memref<128x64xf32, #tpu.memory_space<vmem>>)
    %dma_start3A_93 = arith.constant 128 : i32
    %dma_start3A_94 = tpu.memref_slice %arg10[%dma_start3A_93] : memref<256xi32, #tpu.memory_space<vmem>> -> memref<128xi32, #tpu.memory_space<vmem>>
    %dma_start3A_95 = arith.constant 0 : i32
    %dma_start3A_96 = arith.constant 0 : i32
    %dma_start3A_97 = tpu.memref_slice %arg7[%dma_start3A_95, %dma_start3A_96] : memref<10112x64xf32, #tpu.memory_space<vmem_shared>> -> memref<10112x64xf32, #tpu.memory_space<vmem_shared>>
    tpu.enqueue_indirect_dma source(%arg12 : memref<128x64xf32, #tpu.memory_space<vmem>>) target(%dma_start3A_97 : memref<10112x64xf32, #tpu.memory_space<vmem_shared>>) offsets(%dma_start3A_94 : memref<128xi32, #tpu.memory_space<vmem>>) semaphore(%arg16 : memref<!tpu.dma_semaphore, #tpu.memory_space<semaphore_mem>>) {add = true}
    %min3A_98 = arith.constant 5 : i32
    %min3A_99 = arith.constant 79 : i32
    %min3A_100 = arith.minsi %min3A_98, %min3A_99 : i32
    %mul3A_101 = arith.constant 2 : i32
    %mul3A_102 = arith.muli %min3A_100, %mul3A_101 : i32
    %mul3A_103 = arith.constant 128 : i32
    %mul3A_104 = arith.muli %mul3A_102, %mul3A_103 : i32
    %add3A_105 = arith.addi %mul3A_4, %mul3A_104 : i32
    %dma_start3A_106 = tpu.memref_slice %arg3[%add3A_105] : memref<655360xi32, #tpu.memory_space<hbm>> -> memref<256xi32, #tpu.memory_space<hbm>>
    %dma_start3A_107 = tpu.memref_slice %arg3[%add3A_105] : memref<655360xi32, #tpu.memory_space<hbm>> -> memref<256xi32, #tpu.memory_space<hbm>>
    tpu.enqueue_dma source(%dma_start3A_107 : memref<256xi32, #tpu.memory_space<hbm>>) target(%arg9 : memref<256xi32, #tpu.memory_space<vmem>>) target_semaphore(%arg19 : memref<!tpu.dma_semaphore, #tpu.memory_space<semaphore_mem>>)
    %dma_wait3A_108 = tpu.memref_slice %arg3[%mul3A_4] : memref<655360xi32, #tpu.memory_space<hbm>> -> memref<256xi32, #tpu.memory_space<hbm>>
    %dma_wait3A_109 = tpu.memref_slice %arg3[%mul3A_4] : memref<655360xi32, #tpu.memory_space<hbm>> -> memref<256xi32, #tpu.memory_space<hbm>>
    tpu.wait_dma2 semaphore(%arg18 : memref<!tpu.dma_semaphore, #tpu.memory_space<semaphore_mem>>) src(%dma_wait3A_109 : memref<256xi32, #tpu.memory_space<hbm>>) dst(%arg8 : memref<256xi32, #tpu.memory_space<vmem>>)
    %dma_wait3A_110 = arith.constant 128 : i32
    %dma_wait3A_111 = tpu.memref_slice %arg8[%dma_wait3A_110] : memref<256xi32, #tpu.memory_space<vmem>> -> memref<128xi32, #tpu.memory_space<vmem>>
    %dma_wait3A_112 = arith.constant 0 : i32
    %dma_wait3A_113 = arith.constant 0 : i32
    %dma_wait3A_114 = tpu.memref_slice %arg7[%dma_wait3A_112, %dma_wait3A_113] : memref<10112x64xf32, #tpu.memory_space<vmem_shared>> -> memref<10112x64xf32, #tpu.memory_space<vmem_shared>>
    tpu.wait_indirect_dma semaphore(%arg16 : memref<!tpu.dma_semaphore, #tpu.memory_space<semaphore_mem>>) src(%arg12 : memref<128x64xf32, #tpu.memory_space<vmem>>) dst(%dma_wait3A_114 : memref<10112x64xf32, #tpu.memory_space<vmem_shared>>)
    %dma_start3A_115 = arith.constant 0 : i32
    %dma_start3A_116 = tpu.memref_slice %arg8[%dma_start3A_115] : memref<256xi32, #tpu.memory_space<vmem>> -> memref<128xi32, #tpu.memory_space<vmem>>
    %dma_start3A_117 = arith.constant 0 : i32
    %dma_start3A_118 = arith.constant 0 : i32
    %dma_start3A_119 = tpu.memref_slice %arg6[%dma_start3A_117, %dma_start3A_118] : memref<10112x64xf32, #tpu.memory_space<vmem_shared>> -> memref<10112x64xf32, #tpu.memory_space<vmem_shared>>
    tpu.enqueue_indirect_dma source(%dma_start3A_119 : memref<10112x64xf32, #tpu.memory_space<vmem_shared>>) target(%arg12 : memref<128x64xf32, #tpu.memory_space<vmem>>) offsets(%dma_start3A_116 : memref<128xi32, #tpu.memory_space<vmem>>) semaphore(%arg14 : memref<!tpu.dma_semaphore, #tpu.memory_space<semaphore_mem>>)
    %dma_wait3A_120 = arith.constant 0 : i32
    %dma_wait3A_121 = tpu.memref_slice %arg11[%dma_wait3A_120] : memref<256xi32, #tpu.memory_space<vmem>> -> memref<128xi32, #tpu.memory_space<vmem>>
    %dma_wait3A_122 = arith.constant 0 : i32
    %dma_wait3A_123 = arith.constant 0 : i32
    %dma_wait3A_124 = tpu.memref_slice %arg6[%dma_wait3A_122, %dma_wait3A_123] : memref<10112x64xf32, #tpu.memory_space<vmem_shared>> -> memref<10112x64xf32, #tpu.memory_space<vmem_shared>>
    tpu.wait_indirect_dma semaphore(%arg15 : memref<!tpu.dma_semaphore, #tpu.memory_space<semaphore_mem>>) src(%dma_wait3A_124 : memref<10112x64xf32, #tpu.memory_space<vmem_shared>>) dst(%arg13 : memref<128x64xf32, #tpu.memory_space<vmem>>)
    %dma_start3A_125 = arith.constant 128 : i32
    %dma_start3A_126 = tpu.memref_slice %arg11[%dma_start3A_125] : memref<256xi32, #tpu.memory_space<vmem>> -> memref<128xi32, #tpu.memory_space<vmem>>
    %dma_start3A_127 = arith.constant 0 : i32
    %dma_start3A_128 = arith.constant 0 : i32
    %dma_start3A_129 = tpu.memref_slice %arg7[%dma_start3A_127, %dma_start3A_128] : memref<10112x64xf32, #tpu.memory_space<vmem_shared>> -> memref<10112x64xf32, #tpu.memory_space<vmem_shared>>
    tpu.enqueue_indirect_dma source(%arg13 : memref<128x64xf32, #tpu.memory_space<vmem>>) target(%dma_start3A_129 : memref<10112x64xf32, #tpu.memory_space<vmem_shared>>) offsets(%dma_start3A_126 : memref<128xi32, #tpu.memory_space<vmem>>) semaphore(%arg17 : memref<!tpu.dma_semaphore, #tpu.memory_space<semaphore_mem>>) {add = true}
    %min3A_130 = arith.constant 6 : i32
    %min3A_131 = arith.constant 79 : i32
    %min3A_132 = arith.minsi %min3A_130, %min3A_131 : i32
    %mul3A_133 = arith.constant 2 : i32
    %mul3A_134 = arith.muli %min3A_132, %mul3A_133 : i32
    %mul3A_135 = arith.constant 128 : i32
    %mul3A_136 = arith.muli %mul3A_134, %mul3A_135 : i32
    %add3A_137 = arith.addi %mul3A_4, %mul3A_136 : i32
    %dma_start3A_138 = tpu.memref_slice %arg3[%add3A_137] : memref<655360xi32, #tpu.memory_space<hbm>> -> memref<256xi32, #tpu.memory_space<hbm>>
    %dma_start3A_139 = tpu.memref_slice %arg3[%add3A_137] : memref<655360xi32, #tpu.memory_space<hbm>> -> memref<256xi32, #tpu.memory_space<hbm>>
    tpu.enqueue_dma source(%dma_start3A_139 : memref<256xi32, #tpu.memory_space<hbm>>) target(%arg10 : memref<256xi32, #tpu.memory_space<vmem>>) target_semaphore(%arg20 : memref<!tpu.dma_semaphore, #tpu.memory_space<semaphore_mem>>)
    %scan3A = arith.constant 1 : i32
    %scan3A_140 = arith.constant 19 : i32
    %scan3A_141 = arith.addi %scan3A, %scan3A_140 : i32
    %scan3A_142 = arith.constant 1 : i32
    scf.for %scan3A_333 = %scan3A to %scan3A_141 step %scan3A_142  : i32 {
      %mul3A_334 = arith.constant 4 : i32
      %mul3A_335 = arith.muli %mul3A_334, %scan3A_333 : i32
      %dma_wait3A_336 = tpu.memref_slice %arg3[%mul3A_4] : memref<655360xi32, #tpu.memory_space<hbm>> -> memref<256xi32, #tpu.memory_space<hbm>>
      %dma_wait3A_337 = tpu.memref_slice %arg3[%mul3A_4] : memref<655360xi32, #tpu.memory_space<hbm>> -> memref<256xi32, #tpu.memory_space<hbm>>
      tpu.wait_dma2 semaphore(%arg19 : memref<!tpu.dma_semaphore, #tpu.memory_space<semaphore_mem>>) src(%dma_wait3A_337 : memref<256xi32, #tpu.memory_space<hbm>>) dst(%arg9 : memref<256xi32, #tpu.memory_space<vmem>>)
      %dma_wait3A_338 = arith.constant 128 : i32
      %dma_wait3A_339 = tpu.memref_slice %arg9[%dma_wait3A_338] : memref<256xi32, #tpu.memory_space<vmem>> -> memref<128xi32, #tpu.memory_space<vmem>>
      %dma_wait3A_340 = arith.constant 0 : i32
      %dma_wait3A_341 = arith.constant 0 : i32
      %dma_wait3A_342 = tpu.memref_slice %arg7[%dma_wait3A_340, %dma_wait3A_341] : memref<10112x64xf32, #tpu.memory_space<vmem_shared>> -> memref<10112x64xf32, #tpu.memory_space<vmem_shared>>
      tpu.wait_indirect_dma semaphore(%arg17 : memref<!tpu.dma_semaphore, #tpu.memory_space<semaphore_mem>>) src(%arg13 : memref<128x64xf32, #tpu.memory_space<vmem>>) dst(%dma_wait3A_342 : memref<10112x64xf32, #tpu.memory_space<vmem_shared>>)
      %dma_start3A_343 = arith.constant 0 : i32
      %dma_start3A_344 = tpu.memref_slice %arg9[%dma_start3A_343] : memref<256xi32, #tpu.memory_space<vmem>> -> memref<128xi32, #tpu.memory_space<vmem>>
      %dma_start3A_345 = arith.constant 0 : i32
      %dma_start3A_346 = arith.constant 0 : i32
      %dma_start3A_347 = tpu.memref_slice %arg6[%dma_start3A_345, %dma_start3A_346] : memref<10112x64xf32, #tpu.memory_space<vmem_shared>> -> memref<10112x64xf32, #tpu.memory_space<vmem_shared>>
      tpu.enqueue_indirect_dma source(%dma_start3A_347 : memref<10112x64xf32, #tpu.memory_space<vmem_shared>>) target(%arg13 : memref<128x64xf32, #tpu.memory_space<vmem>>) offsets(%dma_start3A_344 : memref<128xi32, #tpu.memory_space<vmem>>) semaphore(%arg15 : memref<!tpu.dma_semaphore, #tpu.memory_space<semaphore_mem>>)
      %dma_wait3A_348 = arith.constant 0 : i32
      %dma_wait3A_349 = tpu.memref_slice %arg8[%dma_wait3A_348] : memref<256xi32, #tpu.memory_space<vmem>> -> memref<128xi32, #tpu.memory_space<vmem>>
      %dma_wait3A_350 = arith.constant 0 : i32
      %dma_wait3A_351 = arith.constant 0 : i32
      %dma_wait3A_352 = tpu.memref_slice %arg6[%dma_wait3A_350, %dma_wait3A_351] : memref<10112x64xf32, #tpu.memory_space<vmem_shared>> -> memref<10112x64xf32, #tpu.memory_space<vmem_shared>>
      tpu.wait_indirect_dma semaphore(%arg14 : memref<!tpu.dma_semaphore, #tpu.memory_space<semaphore_mem>>) src(%dma_wait3A_352 : memref<10112x64xf32, #tpu.memory_space<vmem_shared>>) dst(%arg12 : memref<128x64xf32, #tpu.memory_space<vmem>>)
      %dma_start3A_353 = arith.constant 128 : i32
      %dma_start3A_354 = tpu.memref_slice %arg8[%dma_start3A_353] : memref<256xi32, #tpu.memory_space<vmem>> -> memref<128xi32, #tpu.memory_space<vmem>>
      %dma_start3A_355 = arith.constant 0 : i32
      %dma_start3A_356 = arith.constant 0 : i32
      %dma_start3A_357 = tpu.memref_slice %arg7[%dma_start3A_355, %dma_start3A_356] : memref<10112x64xf32, #tpu.memory_space<vmem_shared>> -> memref<10112x64xf32, #tpu.memory_space<vmem_shared>>
      tpu.enqueue_indirect_dma source(%arg12 : memref<128x64xf32, #tpu.memory_space<vmem>>) target(%dma_start3A_357 : memref<10112x64xf32, #tpu.memory_space<vmem_shared>>) offsets(%dma_start3A_354 : memref<128xi32, #tpu.memory_space<vmem>>) semaphore(%arg16 : memref<!tpu.dma_semaphore, #tpu.memory_space<semaphore_mem>>) {add = true}
      %add3A_358 = arith.constant 0 : i32
      %add3A_359 = arith.addi %mul3A_335, %add3A_358 : i32
      %add3A_360 = arith.constant 3 : i32
      %add3A_361 = arith.addi %add3A_359, %add3A_360 : i32
      %min3A_362 = arith.constant 79 : i32
      %min3A_363 = arith.minsi %add3A_361, %min3A_362 : i32
      %mul3A_364 = arith.constant 2 : i32
      %mul3A_365 = arith.muli %min3A_363, %mul3A_364 : i32
      %mul3A_366 = arith.constant 128 : i32
      %mul3A_367 = arith.muli %mul3A_365, %mul3A_366 : i32
      %add3A_368 = arith.addi %mul3A_4, %mul3A_367 : i32
      %dma_start3A_369 = tpu.memref_slice %arg3[%add3A_368] : memref<655360xi32, #tpu.memory_space<hbm>> -> memref<256xi32, #tpu.memory_space<hbm>>
      %dma_start3A_370 = tpu.memref_slice %arg3[%add3A_368] : memref<655360xi32, #tpu.memory_space<hbm>> -> memref<256xi32, #tpu.memory_space<hbm>>
      tpu.enqueue_dma source(%dma_start3A_370 : memref<256xi32, #tpu.memory_space<hbm>>) target(%arg11 : memref<256xi32, #tpu.memory_space<vmem>>) target_semaphore(%arg21 : memref<!tpu.dma_semaphore, #tpu.memory_space<semaphore_mem>>)
      %mul3A_371 = arith.constant 4 : i32
      %mul3A_372 = arith.muli %mul3A_371, %scan3A_333 : i32
      %dma_wait3A_373 = tpu.memref_slice %arg3[%mul3A_4] : memref<655360xi32, #tpu.memory_space<hbm>> -> memref<256xi32, #tpu.memory_space<hbm>>
      %dma_wait3A_374 = tpu.memref_slice %arg3[%mul3A_4] : memref<655360xi32, #tpu.memory_space<hbm>> -> memref<256xi32, #tpu.memory_space<hbm>>
      tpu.wait_dma2 semaphore(%arg20 : memref<!tpu.dma_semaphore, #tpu.memory_space<semaphore_mem>>) src(%dma_wait3A_374 : memref<256xi32, #tpu.memory_space<hbm>>) dst(%arg10 : memref<256xi32, #tpu.memory_space<vmem>>)
      %dma_wait3A_375 = arith.constant 128 : i32
      %dma_wait3A_376 = tpu.memref_slice %arg10[%dma_wait3A_375] : memref<256xi32, #tpu.memory_space<vmem>> -> memref<128xi32, #tpu.memory_space<vmem>>
      %dma_wait3A_377 = arith.constant 0 : i32
      %dma_wait3A_378 = arith.constant 0 : i32
      %dma_wait3A_379 = tpu.memref_slice %arg7[%dma_wait3A_377, %dma_wait3A_378] : memref<10112x64xf32, #tpu.memory_space<vmem_shared>> -> memref<10112x64xf32, #tpu.memory_space<vmem_shared>>
      tpu.wait_indirect_dma semaphore(%arg16 : memref<!tpu.dma_semaphore, #tpu.memory_space<semaphore_mem>>) src(%arg12 : memref<128x64xf32, #tpu.memory_space<vmem>>) dst(%dma_wait3A_379 : memref<10112x64xf32, #tpu.memory_space<vmem_shared>>)
      %dma_start3A_380 = arith.constant 0 : i32
      %dma_start3A_381 = tpu.memref_slice %arg10[%dma_start3A_380] : memref<256xi32, #tpu.memory_space<vmem>> -> memref<128xi32, #tpu.memory_space<vmem>>
      %dma_start3A_382 = arith.constant 0 : i32
      %dma_start3A_383 = arith.constant 0 : i32
      %dma_start3A_384 = tpu.memref_slice %arg6[%dma_start3A_382, %dma_start3A_383] : memref<10112x64xf32, #tpu.memory_space<vmem_shared>> -> memref<10112x64xf32, #tpu.memory_space<vmem_shared>>
      tpu.enqueue_indirect_dma source(%dma_start3A_384 : memref<10112x64xf32, #tpu.memory_space<vmem_shared>>) target(%arg12 : memref<128x64xf32, #tpu.memory_space<vmem>>) offsets(%dma_start3A_381 : memref<128xi32, #tpu.memory_space<vmem>>) semaphore(%arg14 : memref<!tpu.dma_semaphore, #tpu.memory_space<semaphore_mem>>)
      %dma_wait3A_385 = arith.constant 0 : i32
      %dma_wait3A_386 = tpu.memref_slice %arg9[%dma_wait3A_385] : memref<256xi32, #tpu.memory_space<vmem>> -> memref<128xi32, #tpu.memory_space<vmem>>
      %dma_wait3A_387 = arith.constant 0 : i32
      %dma_wait3A_388 = arith.constant 0 : i32
      %dma_wait3A_389 = tpu.memref_slice %arg6[%dma_wait3A_387, %dma_wait3A_388] : memref<10112x64xf32, #tpu.memory_space<vmem_shared>> -> memref<10112x64xf32, #tpu.memory_space<vmem_shared>>
      tpu.wait_indirect_dma semaphore(%arg15 : memref<!tpu.dma_semaphore, #tpu.memory_space<semaphore_mem>>) src(%dma_wait3A_389 : memref<10112x64xf32, #tpu.memory_space<vmem_shared>>) dst(%arg13 : memref<128x64xf32, #tpu.memory_space<vmem>>)
      %dma_start3A_390 = arith.constant 128 : i32
      %dma_start3A_391 = tpu.memref_slice %arg9[%dma_start3A_390] : memref<256xi32, #tpu.memory_space<vmem>> -> memref<128xi32, #tpu.memory_space<vmem>>
      %dma_start3A_392 = arith.constant 0 : i32
      %dma_start3A_393 = arith.constant 0 : i32
      %dma_start3A_394 = tpu.memref_slice %arg7[%dma_start3A_392, %dma_start3A_393] : memref<10112x64xf32, #tpu.memory_space<vmem_shared>> -> memref<10112x64xf32, #tpu.memory_space<vmem_shared>>
      tpu.enqueue_indirect_dma source(%arg13 : memref<128x64xf32, #tpu.memory_space<vmem>>) target(%dma_start3A_394 : memref<10112x64xf32, #tpu.memory_space<vmem_shared>>) offsets(%dma_start3A_391 : memref<128xi32, #tpu.memory_space<vmem>>) semaphore(%arg17 : memref<!tpu.dma_semaphore, #tpu.memory_space<semaphore_mem>>) {add = true}
      %add3A_395 = arith.constant 1 : i32
      %add3A_396 = arith.addi %mul3A_372, %add3A_395 : i32
      %add3A_397 = arith.constant 3 : i32
      %add3A_398 = arith.addi %add3A_396, %add3A_397 : i32
      %min3A_399 = arith.constant 79 : i32
      %min3A_400 = arith.minsi %add3A_398, %min3A_399 : i32
      %mul3A_401 = arith.constant 2 : i32
      %mul3A_402 = arith.muli %min3A_400, %mul3A_401 : i32
      %mul3A_403 = arith.constant 128 : i32
      %mul3A_404 = arith.muli %mul3A_402, %mul3A_403 : i32
      %add3A_405 = arith.addi %mul3A_4, %mul3A_404 : i32
      %dma_start3A_406 = tpu.memref_slice %arg3[%add3A_405] : memref<655360xi32, #tpu.memory_space<hbm>> -> memref<256xi32, #tpu.memory_space<hbm>>
      %dma_start3A_407 = tpu.memref_slice %arg3[%add3A_405] : memref<655360xi32, #tpu.memory_space<hbm>> -> memref<256xi32, #tpu.memory_space<hbm>>
      tpu.enqueue_dma source(%dma_start3A_407 : memref<256xi32, #tpu.memory_space<hbm>>) target(%arg8 : memref<256xi32, #tpu.memory_space<vmem>>) target_semaphore(%arg18 : memref<!tpu.dma_semaphore, #tpu.memory_space<semaphore_mem>>)
      %mul3A_408 = arith.constant 4 : i32
      %mul3A_409 = arith.muli %mul3A_408, %scan3A_333 : i32
      %dma_wait3A_410 = tpu.memref_slice %arg3[%mul3A_4] : memref<655360xi32, #tpu.memory_space<hbm>> -> memref<256xi32, #tpu.memory_space<hbm>>
      %dma_wait3A_411 = tpu.memref_slice %arg3[%mul3A_4] : memref<655360xi32, #tpu.memory_space<hbm>> -> memref<256xi32, #tpu.memory_space<hbm>>
      tpu.wait_dma2 semaphore(%arg21 : memref<!tpu.dma_semaphore, #tpu.memory_space<semaphore_mem>>) src(%dma_wait3A_411 : memref<256xi32, #tpu.memory_space<hbm>>) dst(%arg11 : memref<256xi32, #tpu.memory_space<vmem>>)
      %dma_wait3A_412 = arith.constant 128 : i32
      %dma_wait3A_413 = tpu.memref_slice %arg11[%dma_wait3A_412] : memref<256xi32, #tpu.memory_space<vmem>> -> memref<128xi32, #tpu.memory_space<vmem>>
      %dma_wait3A_414 = arith.constant 0 : i32
      %dma_wait3A_415 = arith.constant 0 : i32
      %dma_wait3A_416 = tpu.memref_slice %arg7[%dma_wait3A_414, %dma_wait3A_415] : memref<10112x64xf32, #tpu.memory_space<vmem_shared>> -> memref<10112x64xf32, #tpu.memory_space<vmem_shared>>
      tpu.wait_indirect_dma semaphore(%arg17 : memref<!tpu.dma_semaphore, #tpu.memory_space<semaphore_mem>>) src(%arg13 : memref<128x64xf32, #tpu.memory_space<vmem>>) dst(%dma_wait3A_416 : memref<10112x64xf32, #tpu.memory_space<vmem_shared>>)
      %dma_start3A_417 = arith.constant 0 : i32
      %dma_start3A_418 = tpu.memref_slice %arg11[%dma_start3A_417] : memref<256xi32, #tpu.memory_space<vmem>> -> memref<128xi32, #tpu.memory_space<vmem>>
      %dma_start3A_419 = arith.constant 0 : i32
      %dma_start3A_420 = arith.constant 0 : i32
      %dma_start3A_421 = tpu.memref_slice %arg6[%dma_start3A_419, %dma_start3A_420] : memref<10112x64xf32, #tpu.memory_space<vmem_shared>> -> memref<10112x64xf32, #tpu.memory_space<vmem_shared>>
      tpu.enqueue_indirect_dma source(%dma_start3A_421 : memref<10112x64xf32, #tpu.memory_space<vmem_shared>>) target(%arg13 : memref<128x64xf32, #tpu.memory_space<vmem>>) offsets(%dma_start3A_418 : memref<128xi32, #tpu.memory_space<vmem>>) semaphore(%arg15 : memref<!tpu.dma_semaphore, #tpu.memory_space<semaphore_mem>>)
      %dma_wait3A_422 = arith.constant 0 : i32
      %dma_wait3A_423 = tpu.memref_slice %arg10[%dma_wait3A_422] : memref<256xi32, #tpu.memory_space<vmem>> -> memref<128xi32, #tpu.memory_space<vmem>>
      %dma_wait3A_424 = arith.constant 0 : i32
      %dma_wait3A_425 = arith.constant 0 : i32
      %dma_wait3A_426 = tpu.memref_slice %arg6[%dma_wait3A_424, %dma_wait3A_425] : memref<10112x64xf32, #tpu.memory_space<vmem_shared>> -> memref<10112x64xf32, #tpu.memory_space<vmem_shared>>
      tpu.wait_indirect_dma semaphore(%arg14 : memref<!tpu.dma_semaphore, #tpu.memory_space<semaphore_mem>>) src(%dma_wait3A_426 : memref<10112x64xf32, #tpu.memory_space<vmem_shared>>) dst(%arg12 : memref<128x64xf32, #tpu.memory_space<vmem>>)
      %dma_start3A_427 = arith.constant 128 : i32
      %dma_start3A_428 = tpu.memref_slice %arg10[%dma_start3A_427] : memref<256xi32, #tpu.memory_space<vmem>> -> memref<128xi32, #tpu.memory_space<vmem>>
      %dma_start3A_429 = arith.constant 0 : i32
      %dma_start3A_430 = arith.constant 0 : i32
      %dma_start3A_431 = tpu.memref_slice %arg7[%dma_start3A_429, %dma_start3A_430] : memref<10112x64xf32, #tpu.memory_space<vmem_shared>> -> memref<10112x64xf32, #tpu.memory_space<vmem_shared>>
      tpu.enqueue_indirect_dma source(%arg12 : memref<128x64xf32, #tpu.memory_space<vmem>>) target(%dma_start3A_431 : memref<10112x64xf32, #tpu.memory_space<vmem_shared>>) offsets(%dma_start3A_428 : memref<128xi32, #tpu.memory_space<vmem>>) semaphore(%arg16 : memref<!tpu.dma_semaphore, #tpu.memory_space<semaphore_mem>>) {add = true}
      %add3A_432 = arith.constant 2 : i32
      %add3A_433 = arith.addi %mul3A_409, %add3A_432 : i32
      %add3A_434 = arith.constant 3 : i32
      %add3A_435 = arith.addi %add3A_433, %add3A_434 : i32
      %min3A_436 = arith.constant 79 : i32
      %min3A_437 = arith.minsi %add3A_435, %min3A_436 : i32
      %mul3A_438 = arith.constant 2 : i32
      %mul3A_439 = arith.muli %min3A_437, %mul3A_438 : i32
      %mul3A_440 = arith.constant 128 : i32
      %mul3A_441 = arith.muli %mul3A_439, %mul3A_440 : i32
      %add3A_442 = arith.addi %mul3A_4, %mul3A_441 : i32
      %dma_start3A_443 = tpu.memref_slice %arg3[%add3A_442] : memref<655360xi32, #tpu.memory_space<hbm>> -> memref<256xi32, #tpu.memory_space<hbm>>
      %dma_start3A_444 = tpu.memref_slice %arg3[%add3A_442] : memref<655360xi32, #tpu.memory_space<hbm>> -> memref<256xi32, #tpu.memory_space<hbm>>
      tpu.enqueue_dma source(%dma_start3A_444 : memref<256xi32, #tpu.memory_space<hbm>>) target(%arg9 : memref<256xi32, #tpu.memory_space<vmem>>) target_semaphore(%arg19 : memref<!tpu.dma_semaphore, #tpu.memory_space<semaphore_mem>>)
      %mul3A_445 = arith.constant 4 : i32
      %mul3A_446 = arith.muli %mul3A_445, %scan3A_333 : i32
      %dma_wait3A_447 = tpu.memref_slice %arg3[%mul3A_4] : memref<655360xi32, #tpu.memory_space<hbm>> -> memref<256xi32, #tpu.memory_space<hbm>>
      %dma_wait3A_448 = tpu.memref_slice %arg3[%mul3A_4] : memref<655360xi32, #tpu.memory_space<hbm>> -> memref<256xi32, #tpu.memory_space<hbm>>
      tpu.wait_dma2 semaphore(%arg18 : memref<!tpu.dma_semaphore, #tpu.memory_space<semaphore_mem>>) src(%dma_wait3A_448 : memref<256xi32, #tpu.memory_space<hbm>>) dst(%arg8 : memref<256xi32, #tpu.memory_space<vmem>>)
      %dma_wait3A_449 = arith.constant 128 : i32
      %dma_wait3A_450 = tpu.memref_slice %arg8[%dma_wait3A_449] : memref<256xi32, #tpu.memory_space<vmem>> -> memref<128xi32, #tpu.memory_space<vmem>>
      %dma_wait3A_451 = arith.constant 0 : i32
      %dma_wait3A_452 = arith.constant 0 : i32
      %dma_wait3A_453 = tpu.memref_slice %arg7[%dma_wait3A_451, %dma_wait3A_452] : memref<10112x64xf32, #tpu.memory_space<vmem_shared>> -> memref<10112x64xf32, #tpu.memory_space<vmem_shared>>
      tpu.wait_indirect_dma semaphore(%arg16 : memref<!tpu.dma_semaphore, #tpu.memory_space<semaphore_mem>>) src(%arg12 : memref<128x64xf32, #tpu.memory_space<vmem>>) dst(%dma_wait3A_453 : memref<10112x64xf32, #tpu.memory_space<vmem_shared>>)
      %dma_start3A_454 = arith.constant 0 : i32
      %dma_start3A_455 = tpu.memref_slice %arg8[%dma_start3A_454] : memref<256xi32, #tpu.memory_space<vmem>> -> memref<128xi32, #tpu.memory_space<vmem>>
      %dma_start3A_456 = arith.constant 0 : i32
      %dma_start3A_457 = arith.constant 0 : i32
      %dma_start3A_458 = tpu.memref_slice %arg6[%dma_start3A_456, %dma_start3A_457] : memref<10112x64xf32, #tpu.memory_space<vmem_shared>> -> memref<10112x64xf32, #tpu.memory_space<vmem_shared>>
      tpu.enqueue_indirect_dma source(%dma_start3A_458 : memref<10112x64xf32, #tpu.memory_space<vmem_shared>>) target(%arg12 : memref<128x64xf32, #tpu.memory_space<vmem>>) offsets(%dma_start3A_455 : memref<128xi32, #tpu.memory_space<vmem>>) semaphore(%arg14 : memref<!tpu.dma_semaphore, #tpu.memory_space<semaphore_mem>>)
      %dma_wait3A_459 = arith.constant 0 : i32
      %dma_wait3A_460 = tpu.memref_slice %arg11[%dma_wait3A_459] : memref<256xi32, #tpu.memory_space<vmem>> -> memref<128xi32, #tpu.memory_space<vmem>>
      %dma_wait3A_461 = arith.constant 0 : i32
      %dma_wait3A_462 = arith.constant 0 : i32
      %dma_wait3A_463 = tpu.memref_slice %arg6[%dma_wait3A_461, %dma_wait3A_462] : memref<10112x64xf32, #tpu.memory_space<vmem_shared>> -> memref<10112x64xf32, #tpu.memory_space<vmem_shared>>
      tpu.wait_indirect_dma semaphore(%arg15 : memref<!tpu.dma_semaphore, #tpu.memory_space<semaphore_mem>>) src(%dma_wait3A_463 : memref<10112x64xf32, #tpu.memory_space<vmem_shared>>) dst(%arg13 : memref<128x64xf32, #tpu.memory_space<vmem>>)
      %dma_start3A_464 = arith.constant 128 : i32
      %dma_start3A_465 = tpu.memref_slice %arg11[%dma_start3A_464] : memref<256xi32, #tpu.memory_space<vmem>> -> memref<128xi32, #tpu.memory_space<vmem>>
      %dma_start3A_466 = arith.constant 0 : i32
      %dma_start3A_467 = arith.constant 0 : i32
      %dma_start3A_468 = tpu.memref_slice %arg7[%dma_start3A_466, %dma_start3A_467] : memref<10112x64xf32, #tpu.memory_space<vmem_shared>> -> memref<10112x64xf32, #tpu.memory_space<vmem_shared>>
      tpu.enqueue_indirect_dma source(%arg13 : memref<128x64xf32, #tpu.memory_space<vmem>>) target(%dma_start3A_468 : memref<10112x64xf32, #tpu.memory_space<vmem_shared>>) offsets(%dma_start3A_465 : memref<128xi32, #tpu.memory_space<vmem>>) semaphore(%arg17 : memref<!tpu.dma_semaphore, #tpu.memory_space<semaphore_mem>>) {add = true}
      %add3A_469 = arith.constant 3 : i32
      %add3A_470 = arith.addi %mul3A_446, %add3A_469 : i32
      %add3A_471 = arith.constant 3 : i32
      %add3A_472 = arith.addi %add3A_470, %add3A_471 : i32
      %min3A_473 = arith.constant 79 : i32
      %min3A_474 = arith.minsi %add3A_472, %min3A_473 : i32
      %mul3A_475 = arith.constant 2 : i32
      %mul3A_476 = arith.muli %min3A_474, %mul3A_475 : i32
      %mul3A_477 = arith.constant 128 : i32
      %mul3A_478 = arith.muli %mul3A_476, %mul3A_477 : i32
      %add3A_479 = arith.addi %mul3A_4, %mul3A_478 : i32
      %dma_start3A_480 = tpu.memref_slice %arg3[%add3A_479] : memref<655360xi32, #tpu.memory_space<hbm>> -> memref<256xi32, #tpu.memory_space<hbm>>
      %dma_start3A_481 = tpu.memref_slice %arg3[%add3A_479] : memref<655360xi32, #tpu.memory_space<hbm>> -> memref<256xi32, #tpu.memory_space<hbm>>
      tpu.enqueue_dma source(%dma_start3A_481 : memref<256xi32, #tpu.memory_space<hbm>>) target(%arg10 : memref<256xi32, #tpu.memory_space<vmem>>) target_semaphore(%arg20 : memref<!tpu.dma_semaphore, #tpu.memory_space<semaphore_mem>>)
    }
    %scan3A_143 = arith.constant 19 : i32
    %dma_wait3A_144 = arith.constant 0 : i32
    %dma_wait3A_145 = tpu.memref_slice %arg8[%dma_wait3A_144] : memref<256xi32, #tpu.memory_space<vmem>> -> memref<128xi32, #tpu.memory_space<vmem>>
    %dma_wait3A_146 = arith.constant 0 : i32
    %dma_wait3A_147 = arith.constant 0 : i32
    %dma_wait3A_148 = tpu.memref_slice %arg6[%dma_wait3A_146, %dma_wait3A_147] : memref<10112x64xf32, #tpu.memory_space<vmem_shared>> -> memref<10112x64xf32, #tpu.memory_space<vmem_shared>>
    tpu.wait_indirect_dma semaphore(%arg14 : memref<!tpu.dma_semaphore, #tpu.memory_space<semaphore_mem>>) src(%dma_wait3A_148 : memref<10112x64xf32, #tpu.memory_space<vmem_shared>>) dst(%arg12 : memref<128x64xf32, #tpu.memory_space<vmem>>)
    %dma_wait3A_149 = arith.constant 128 : i32
    %dma_wait3A_150 = tpu.memref_slice %arg11[%dma_wait3A_149] : memref<256xi32, #tpu.memory_space<vmem>> -> memref<128xi32, #tpu.memory_space<vmem>>
    %dma_wait3A_151 = arith.constant 0 : i32
    %dma_wait3A_152 = arith.constant 0 : i32
    %dma_wait3A_153 = tpu.memref_slice %arg7[%dma_wait3A_151, %dma_wait3A_152] : memref<10112x64xf32, #tpu.memory_space<vmem_shared>> -> memref<10112x64xf32, #tpu.memory_space<vmem_shared>>
    tpu.wait_indirect_dma semaphore(%arg17 : memref<!tpu.dma_semaphore, #tpu.memory_space<semaphore_mem>>) src(%arg13 : memref<128x64xf32, #tpu.memory_space<vmem>>) dst(%dma_wait3A_153 : memref<10112x64xf32, #tpu.memory_space<vmem_shared>>)
    %dma_wait3A_154 = tpu.memref_slice %arg3[%mul3A_4] : memref<655360xi32, #tpu.memory_space<hbm>> -> memref<256xi32, #tpu.memory_space<hbm>>
    %dma_wait3A_155 = tpu.memref_slice %arg3[%mul3A_4] : memref<655360xi32, #tpu.memory_space<hbm>> -> memref<256xi32, #tpu.memory_space<hbm>>
    tpu.wait_dma2 semaphore(%arg19 : memref<!tpu.dma_semaphore, #tpu.memory_space<semaphore_mem>>) src(%dma_wait3A_155 : memref<256xi32, #tpu.memory_space<hbm>>) dst(%arg9 : memref<256xi32, #tpu.memory_space<vmem>>)
    %dma_wait3A_156 = tpu.memref_slice %arg3[%mul3A_4] : memref<655360xi32, #tpu.memory_space<hbm>> -> memref<256xi32, #tpu.memory_space<hbm>>
    %dma_wait3A_157 = tpu.memref_slice %arg3[%mul3A_4] : memref<655360xi32, #tpu.memory_space<hbm>> -> memref<256xi32, #tpu.memory_space<hbm>>
    tpu.wait_dma2 semaphore(%arg20 : memref<!tpu.dma_semaphore, #tpu.memory_space<semaphore_mem>>) src(%dma_wait3A_157 : memref<256xi32, #tpu.memory_space<hbm>>) dst(%arg10 : memref<256xi32, #tpu.memory_space<vmem>>)
    %barrier3A_158 = arith.constant 0 : index
    tpu.barrier barrier_id(%barrier3A_158)
    %lt3A_159 = arith.constant 10 : i32
    %lt3A_160 = arith.cmpi slt, %arg1, %lt3A_159 : i32
    %convert_element_type3A_161 = arith.extui %lt3A_160 : i1 to i32
    %cond3A_162 = arith.constant 0 : i32
    %cond3A_163 = arith.cmpi ne, %convert_element_type3A_161, %cond3A_162 : i32
    scf.if %cond3A_163 {
      %mul3A_333 = arith.constant 1000 : i32
      %mul3A_334 = arith.muli %arg1, %mul3A_333 : i32
      %mul3A_335 = arith.constant 10000 : i32
      %mul3A_336 = arith.muli %arg0, %mul3A_335 : i32
      %mul3A_337 = arith.constant 1000 : i32
      %mul3A_338 = arith.muli %arg1, %mul3A_337 : i32
      %add3A_339 = arith.addi %mul3A_336, %mul3A_338 : i32
      %run_scoped3A = arith.constant 0 : i32
      "tpu.region"() ({
        %run_scoped3A_340 = tpu.sem_alloc : memref<!tpu.dma_semaphore, #tpu.memory_space<semaphore_mem>>
        %dma_start3A_341 = arith.constant 0 : i32
        %dma_start3A_342 = tpu.memref_slice %arg5[%run_scoped3A, %add3A_339, %dma_start3A_341] : memref<2x20000x64xf32, #tpu.memory_space<hbm>> -> memref<1x1000x64xf32, #tpu.memory_space<hbm>>
        %dma_start3A_343 = tpu.memref_squeeze %dma_start3A_342 : memref<1x1000x64xf32, #tpu.memory_space<hbm>> -> memref<1000x64xf32, #tpu.memory_space<hbm>>
        %dma_start3A_344 = arith.constant 0 : i32
        %dma_start3A_345 = tpu.memref_slice %arg7[%mul3A_334, %dma_start3A_344] : memref<10112x64xf32, #tpu.memory_space<vmem_shared>> -> memref<1000x64xf32, #tpu.memory_space<vmem_shared>>
        tpu.enqueue_dma source(%dma_start3A_345 : memref<1000x64xf32, #tpu.memory_space<vmem_shared>>) target(%dma_start3A_343 : memref<1000x64xf32, #tpu.memory_space<hbm>>) target_semaphore(%run_scoped3A_340 : memref<!tpu.dma_semaphore, #tpu.memory_space<semaphore_mem>>)
        %dma_wait3A_346 = arith.constant 0 : i32
        %dma_wait3A_347 = tpu.memref_slice %arg5[%run_scoped3A, %add3A_339, %dma_wait3A_346] : memref<2x20000x64xf32, #tpu.memory_space<hbm>> -> memref<1x1000x64xf32, #tpu.memory_space<hbm>>
        %dma_wait3A_348 = tpu.memref_squeeze %dma_wait3A_347 : memref<1x1000x64xf32, #tpu.memory_space<hbm>> -> memref<1000x64xf32, #tpu.memory_space<hbm>>
        %dma_wait3A_349 = arith.constant 0 : i32
        %dma_wait3A_350 = tpu.memref_slice %arg7[%mul3A_334, %dma_wait3A_349] : memref<10112x64xf32, #tpu.memory_space<vmem_shared>> -> memref<1000x64xf32, #tpu.memory_space<vmem_shared>>
        tpu.wait_dma2 semaphore(%run_scoped3A_340 : memref<!tpu.dma_semaphore, #tpu.memory_space<semaphore_mem>>) src(%dma_wait3A_350 : memref<1000x64xf32, #tpu.memory_space<vmem_shared>>) dst(%dma_wait3A_348 : memref<1000x64xf32, #tpu.memory_space<hbm>>)
        tpu.yield
      }) : () -> ()
    } else {
    }
    %barrier3A_164 = arith.constant 0 : index
    tpu.barrier barrier_id(%barrier3A_164)
    %lt3A_165 = arith.constant 10 : i32
    %lt3A_166 = arith.cmpi slt, %arg1, %lt3A_165 : i32
    %convert_element_type3A_167 = arith.extui %lt3A_166 : i1 to i32
    %cond3A_168 = arith.constant 0 : i32
    %cond3A_169 = arith.cmpi ne, %convert_element_type3A_167, %cond3A_168 : i32
    scf.if %cond3A_169 {
      %mul3A_333 = arith.constant 1000 : i32
      %mul3A_334 = arith.muli %arg1, %mul3A_333 : i32
      %mul3A_335 = arith.constant 1000 : i32
      %mul3A_336 = arith.muli %arg1, %mul3A_335 : i32
      %run_scoped3A = arith.constant 1 : i32
      "tpu.region"() ({
        %run_scoped3A_339 = tpu.sem_alloc : memref<!tpu.dma_semaphore, #tpu.memory_space<semaphore_mem>>
        %dma_start3A_340 = arith.constant 0 : i32
        %dma_start3A_341 = tpu.memref_slice %arg6[%mul3A_336, %dma_start3A_340] : memref<10112x64xf32, #tpu.memory_space<vmem_shared>> -> memref<1000x64xf32, #tpu.memory_space<vmem_shared>>
        %dma_start3A_342 = arith.constant 0 : i32
        %dma_start3A_343 = tpu.memref_slice %arg2[%run_scoped3A, %mul3A_334, %dma_start3A_342] : memref<2x10000x64xf32, #tpu.memory_space<hbm>> -> memref<1x1000x64xf32, #tpu.memory_space<hbm>>
        %dma_start3A_344 = tpu.memref_squeeze %dma_start3A_343 : memref<1x1000x64xf32, #tpu.memory_space<hbm>> -> memref<1000x64xf32, #tpu.memory_space<hbm>>
        tpu.enqueue_dma source(%dma_start3A_344 : memref<1000x64xf32, #tpu.memory_space<hbm>>) target(%dma_start3A_341 : memref<1000x64xf32, #tpu.memory_space<vmem_shared>>) target_semaphore(%run_scoped3A_339 : memref<!tpu.dma_semaphore, #tpu.memory_space<semaphore_mem>>)
        %dma_wait3A_345 = arith.constant 0 : i32
        %dma_wait3A_346 = tpu.memref_slice %arg6[%mul3A_336, %dma_wait3A_345] : memref<10112x64xf32, #tpu.memory_space<vmem_shared>> -> memref<1000x64xf32, #tpu.memory_space<vmem_shared>>
        %dma_wait3A_347 = arith.constant 0 : i32
        %dma_wait3A_348 = tpu.memref_slice %arg2[%run_scoped3A, %mul3A_334, %dma_wait3A_347] : memref<2x10000x64xf32, #tpu.memory_space<hbm>> -> memref<1x1000x64xf32, #tpu.memory_space<hbm>>
        %dma_wait3A_349 = tpu.memref_squeeze %dma_wait3A_348 : memref<1x1000x64xf32, #tpu.memory_space<hbm>> -> memref<1000x64xf32, #tpu.memory_space<hbm>>
        tpu.wait_dma2 semaphore(%run_scoped3A_339 : memref<!tpu.dma_semaphore, #tpu.memory_space<semaphore_mem>>) src(%dma_wait3A_349 : memref<1000x64xf32, #tpu.memory_space<hbm>>) dst(%dma_wait3A_346 : memref<1000x64xf32, #tpu.memory_space<vmem_shared>>)
        tpu.yield
      }) : () -> ()
      %mul3A_337 = arith.constant 1000 : i32
      %mul3A_338 = arith.muli %arg1, %mul3A_337 : i32
      "tpu.region"() ({
        %run_scoped3A_339 = tpu.sem_alloc : memref<!tpu.dma_semaphore, #tpu.memory_space<semaphore_mem>>
        %dma_start3A_340 = arith.constant 0 : i32
        %dma_start3A_341 = tpu.memref_slice %arg7[%mul3A_338, %dma_start3A_340] : memref<10112x64xf32, #tpu.memory_space<vmem_shared>> -> memref<1000x64xf32, #tpu.memory_space<vmem_shared>>
        tpu.enqueue_dma source(%arg4 : memref<1000x64xf32, #tpu.memory_space<hbm>>) target(%dma_start3A_341 : memref<1000x64xf32, #tpu.memory_space<vmem_shared>>) target_semaphore(%run_scoped3A_339 : memref<!tpu.dma_semaphore, #tpu.memory_space<semaphore_mem>>)
        %dma_wait3A_342 = arith.constant 0 : i32
        %dma_wait3A_343 = tpu.memref_slice %arg7[%mul3A_338, %dma_wait3A_342] : memref<10112x64xf32, #tpu.memory_space<vmem_shared>> -> memref<1000x64xf32, #tpu.memory_space<vmem_shared>>
        tpu.wait_dma2 semaphore(%run_scoped3A_339 : memref<!tpu.dma_semaphore, #tpu.memory_space<semaphore_mem>>) src(%arg4 : memref<1000x64xf32, #tpu.memory_space<hbm>>) dst(%dma_wait3A_343 : memref<1000x64xf32, #tpu.memory_space<vmem_shared>>)
        tpu.yield
      }) : () -> ()
    } else {
    }
    %barrier3A_170 = arith.constant 0 : index
    tpu.barrier barrier_id(%barrier3A_170)
    "tpu.region"() ({
      %run_scoped3A = tpu.sem_alloc : memref<!tpu.dma_semaphore, #tpu.memory_space<semaphore_mem>>
      %dma_start3A_333 = tpu.memref_slice %arg3[%mul3A_4] : memref<655360xi32, #tpu.memory_space<hbm>> -> memref<256xi32, #tpu.memory_space<hbm>>
      %dma_start3A_334 = tpu.memref_slice %arg3[%mul3A_4] : memref<655360xi32, #tpu.memory_space<hbm>> -> memref<256xi32, #tpu.memory_space<hbm>>
      tpu.enqueue_dma source(%dma_start3A_334 : memref<256xi32, #tpu.memory_space<hbm>>) target(%arg8 : memref<256xi32, #tpu.memory_space<vmem>>) target_semaphore(%run_scoped3A : memref<!tpu.dma_semaphore, #tpu.memory_space<semaphore_mem>>)
      %dma_wait3A_335 = tpu.memref_slice %arg3[%mul3A_4] : memref<655360xi32, #tpu.memory_space<hbm>> -> memref<256xi32, #tpu.memory_space<hbm>>
      %dma_wait3A_336 = tpu.memref_slice %arg3[%mul3A_4] : memref<655360xi32, #tpu.memory_space<hbm>> -> memref<256xi32, #tpu.memory_space<hbm>>
      tpu.wait_dma2 semaphore(%run_scoped3A : memref<!tpu.dma_semaphore, #tpu.memory_space<semaphore_mem>>) src(%dma_wait3A_336 : memref<256xi32, #tpu.memory_space<hbm>>) dst(%arg8 : memref<256xi32, #tpu.memory_space<vmem>>)
      tpu.yield
    }) : () -> ()
    %add3A_171 = arith.constant 256 : i32
    %add3A_172 = arith.addi %mul3A_4, %add3A_171 : i32
    %dma_start3A_173 = tpu.memref_slice %arg3[%add3A_172] : memref<655360xi32, #tpu.memory_space<hbm>> -> memref<256xi32, #tpu.memory_space<hbm>>
    %dma_start3A_174 = tpu.memref_slice %arg3[%add3A_172] : memref<655360xi32, #tpu.memory_space<hbm>> -> memref<256xi32, #tpu.memory_space<hbm>>
    tpu.enqueue_dma source(%dma_start3A_174 : memref<256xi32, #tpu.memory_space<hbm>>) target(%arg9 : memref<256xi32, #tpu.memory_space<vmem>>) target_semaphore(%arg19 : memref<!tpu.dma_semaphore, #tpu.memory_space<semaphore_mem>>)
    %add3A_175 = arith.constant 512 : i32
    %add3A_176 = arith.addi %mul3A_4, %add3A_175 : i32
    %dma_start3A_177 = tpu.memref_slice %arg3[%add3A_176] : memref<655360xi32, #tpu.memory_space<hbm>> -> memref<256xi32, #tpu.memory_space<hbm>>
    %dma_start3A_178 = tpu.memref_slice %arg3[%add3A_176] : memref<655360xi32, #tpu.memory_space<hbm>> -> memref<256xi32, #tpu.memory_space<hbm>>
    tpu.enqueue_dma source(%dma_start3A_178 : memref<256xi32, #tpu.memory_space<hbm>>) target(%arg10 : memref<256xi32, #tpu.memory_space<vmem>>) target_semaphore(%arg20 : memref<!tpu.dma_semaphore, #tpu.memory_space<semaphore_mem>>)
    %dma_start3A_179 = arith.constant 0 : i32
    %dma_start3A_180 = tpu.memref_slice %arg8[%dma_start3A_179] : memref<256xi32, #tpu.memory_space<vmem>> -> memref<128xi32, #tpu.memory_space<vmem>>
    %dma_start3A_181 = arith.constant 0 : i32
    %dma_start3A_182 = arith.constant 0 : i32
    %dma_start3A_183 = tpu.memref_slice %arg6[%dma_start3A_181, %dma_start3A_182] : memref<10112x64xf32, #tpu.memory_space<vmem_shared>> -> memref<10112x64xf32, #tpu.memory_space<vmem_shared>>
    tpu.enqueue_indirect_dma source(%dma_start3A_183 : memref<10112x64xf32, #tpu.memory_space<vmem_shared>>) target(%arg12 : memref<128x64xf32, #tpu.memory_space<vmem>>) offsets(%dma_start3A_180 : memref<128xi32, #tpu.memory_space<vmem>>) semaphore(%arg14 : memref<!tpu.dma_semaphore, #tpu.memory_space<semaphore_mem>>)
    %dma_wait3A_184 = tpu.memref_slice %arg3[%mul3A_4] : memref<655360xi32, #tpu.memory_space<hbm>> -> memref<256xi32, #tpu.memory_space<hbm>>
    %dma_wait3A_185 = tpu.memref_slice %arg3[%mul3A_4] : memref<655360xi32, #tpu.memory_space<hbm>> -> memref<256xi32, #tpu.memory_space<hbm>>
    tpu.wait_dma2 semaphore(%arg19 : memref<!tpu.dma_semaphore, #tpu.memory_space<semaphore_mem>>) src(%dma_wait3A_185 : memref<256xi32, #tpu.memory_space<hbm>>) dst(%arg9 : memref<256xi32, #tpu.memory_space<vmem>>)
    %dma_start3A_186 = arith.constant 0 : i32
    %dma_start3A_187 = tpu.memref_slice %arg9[%dma_start3A_186] : memref<256xi32, #tpu.memory_space<vmem>> -> memref<128xi32, #tpu.memory_space<vmem>>
    %dma_start3A_188 = arith.constant 0 : i32
    %dma_start3A_189 = arith.constant 0 : i32
    %dma_start3A_190 = tpu.memref_slice %arg6[%dma_start3A_188, %dma_start3A_189] : memref<10112x64xf32, #tpu.memory_space<vmem_shared>> -> memref<10112x64xf32, #tpu.memory_space<vmem_shared>>
    tpu.enqueue_indirect_dma source(%dma_start3A_190 : memref<10112x64xf32, #tpu.memory_space<vmem_shared>>) target(%arg13 : memref<128x64xf32, #tpu.memory_space<vmem>>) offsets(%dma_start3A_187 : memref<128xi32, #tpu.memory_space<vmem>>) semaphore(%arg15 : memref<!tpu.dma_semaphore, #tpu.memory_space<semaphore_mem>>)
    %dma_wait3A_191 = arith.constant 0 : i32
    %dma_wait3A_192 = tpu.memref_slice %arg8[%dma_wait3A_191] : memref<256xi32, #tpu.memory_space<vmem>> -> memref<128xi32, #tpu.memory_space<vmem>>
    %dma_wait3A_193 = arith.constant 0 : i32
    %dma_wait3A_194 = arith.constant 0 : i32
    %dma_wait3A_195 = tpu.memref_slice %arg6[%dma_wait3A_193, %dma_wait3A_194] : memref<10112x64xf32, #tpu.memory_space<vmem_shared>> -> memref<10112x64xf32, #tpu.memory_space<vmem_shared>>
    tpu.wait_indirect_dma semaphore(%arg14 : memref<!tpu.dma_semaphore, #tpu.memory_space<semaphore_mem>>) src(%dma_wait3A_195 : memref<10112x64xf32, #tpu.memory_space<vmem_shared>>) dst(%arg12 : memref<128x64xf32, #tpu.memory_space<vmem>>)
    %dma_start3A_196 = arith.constant 128 : i32
    %dma_start3A_197 = tpu.memref_slice %arg8[%dma_start3A_196] : memref<256xi32, #tpu.memory_space<vmem>> -> memref<128xi32, #tpu.memory_space<vmem>>
    %dma_start3A_198 = arith.constant 0 : i32
    %dma_start3A_199 = arith.constant 0 : i32
    %dma_start3A_200 = tpu.memref_slice %arg7[%dma_start3A_198, %dma_start3A_199] : memref<10112x64xf32, #tpu.memory_space<vmem_shared>> -> memref<10112x64xf32, #tpu.memory_space<vmem_shared>>
    tpu.enqueue_indirect_dma source(%arg12 : memref<128x64xf32, #tpu.memory_space<vmem>>) target(%dma_start3A_200 : memref<10112x64xf32, #tpu.memory_space<vmem_shared>>) offsets(%dma_start3A_197 : memref<128xi32, #tpu.memory_space<vmem>>) semaphore(%arg16 : memref<!tpu.dma_semaphore, #tpu.memory_space<semaphore_mem>>) {add = true}
    %min3A_201 = arith.constant 3 : i32
    %min3A_202 = arith.constant 79 : i32
    %min3A_203 = arith.minsi %min3A_201, %min3A_202 : i32
    %mul3A_204 = arith.constant 2 : i32
    %mul3A_205 = arith.muli %min3A_203, %mul3A_204 : i32
    %mul3A_206 = arith.constant 128 : i32
    %mul3A_207 = arith.muli %mul3A_205, %mul3A_206 : i32
    %add3A_208 = arith.addi %mul3A_4, %mul3A_207 : i32
    %dma_start3A_209 = tpu.memref_slice %arg3[%add3A_208] : memref<655360xi32, #tpu.memory_space<hbm>> -> memref<256xi32, #tpu.memory_space<hbm>>
    %dma_start3A_210 = tpu.memref_slice %arg3[%add3A_208] : memref<655360xi32, #tpu.memory_space<hbm>> -> memref<256xi32, #tpu.memory_space<hbm>>
    tpu.enqueue_dma source(%dma_start3A_210 : memref<256xi32, #tpu.memory_space<hbm>>) target(%arg11 : memref<256xi32, #tpu.memory_space<vmem>>) target_semaphore(%arg21 : memref<!tpu.dma_semaphore, #tpu.memory_space<semaphore_mem>>)
    %dma_wait3A_211 = tpu.memref_slice %arg3[%mul3A_4] : memref<655360xi32, #tpu.memory_space<hbm>> -> memref<256xi32, #tpu.memory_space<hbm>>
    %dma_wait3A_212 = tpu.memref_slice %arg3[%mul3A_4] : memref<655360xi32, #tpu.memory_space<hbm>> -> memref<256xi32, #tpu.memory_space<hbm>>
    tpu.wait_dma2 semaphore(%arg20 : memref<!tpu.dma_semaphore, #tpu.memory_space<semaphore_mem>>) src(%dma_wait3A_212 : memref<256xi32, #tpu.memory_space<hbm>>) dst(%arg10 : memref<256xi32, #tpu.memory_space<vmem>>)
    %dma_wait3A_213 = arith.constant 128 : i32
    %dma_wait3A_214 = tpu.memref_slice %arg10[%dma_wait3A_213] : memref<256xi32, #tpu.memory_space<vmem>> -> memref<128xi32, #tpu.memory_space<vmem>>
    %dma_wait3A_215 = arith.constant 0 : i32
    %dma_wait3A_216 = arith.constant 0 : i32
    %dma_wait3A_217 = tpu.memref_slice %arg7[%dma_wait3A_215, %dma_wait3A_216] : memref<10112x64xf32, #tpu.memory_space<vmem_shared>> -> memref<10112x64xf32, #tpu.memory_space<vmem_shared>>
    tpu.wait_indirect_dma semaphore(%arg16 : memref<!tpu.dma_semaphore, #tpu.memory_space<semaphore_mem>>) src(%arg12 : memref<128x64xf32, #tpu.memory_space<vmem>>) dst(%dma_wait3A_217 : memref<10112x64xf32, #tpu.memory_space<vmem_shared>>)
    %dma_start3A_218 = arith.constant 0 : i32
    %dma_start3A_219 = tpu.memref_slice %arg10[%dma_start3A_218] : memref<256xi32, #tpu.memory_space<vmem>> -> memref<128xi32, #tpu.memory_space<vmem>>
    %dma_start3A_220 = arith.constant 0 : i32
    %dma_start3A_221 = arith.constant 0 : i32
    %dma_start3A_222 = tpu.memref_slice %arg6[%dma_start3A_220, %dma_start3A_221] : memref<10112x64xf32, #tpu.memory_space<vmem_shared>> -> memref<10112x64xf32, #tpu.memory_space<vmem_shared>>
    tpu.enqueue_indirect_dma source(%dma_start3A_222 : memref<10112x64xf32, #tpu.memory_space<vmem_shared>>) target(%arg12 : memref<128x64xf32, #tpu.memory_space<vmem>>) offsets(%dma_start3A_219 : memref<128xi32, #tpu.memory_space<vmem>>) semaphore(%arg14 : memref<!tpu.dma_semaphore, #tpu.memory_space<semaphore_mem>>)
    %dma_wait3A_223 = arith.constant 0 : i32
    %dma_wait3A_224 = tpu.memref_slice %arg9[%dma_wait3A_223] : memref<256xi32, #tpu.memory_space<vmem>> -> memref<128xi32, #tpu.memory_space<vmem>>
    %dma_wait3A_225 = arith.constant 0 : i32
    %dma_wait3A_226 = arith.constant 0 : i32
    %dma_wait3A_227 = tpu.memref_slice %arg6[%dma_wait3A_225, %dma_wait3A_226] : memref<10112x64xf32, #tpu.memory_space<vmem_shared>> -> memref<10112x64xf32, #tpu.memory_space<vmem_shared>>
    tpu.wait_indirect_dma semaphore(%arg15 : memref<!tpu.dma_semaphore, #tpu.memory_space<semaphore_mem>>) src(%dma_wait3A_227 : memref<10112x64xf32, #tpu.memory_space<vmem_shared>>) dst(%arg13 : memref<128x64xf32, #tpu.memory_space<vmem>>)
    %dma_start3A_228 = arith.constant 128 : i32
    %dma_start3A_229 = tpu.memref_slice %arg9[%dma_start3A_228] : memref<256xi32, #tpu.memory_space<vmem>> -> memref<128xi32, #tpu.memory_space<vmem>>
    %dma_start3A_230 = arith.constant 0 : i32
    %dma_start3A_231 = arith.constant 0 : i32
    %dma_start3A_232 = tpu.memref_slice %arg7[%dma_start3A_230, %dma_start3A_231] : memref<10112x64xf32, #tpu.memory_space<vmem_shared>> -> memref<10112x64xf32, #tpu.memory_space<vmem_shared>>
    tpu.enqueue_indirect_dma source(%arg13 : memref<128x64xf32, #tpu.memory_space<vmem>>) target(%dma_start3A_232 : memref<10112x64xf32, #tpu.memory_space<vmem_shared>>) offsets(%dma_start3A_229 : memref<128xi32, #tpu.memory_space<vmem>>) semaphore(%arg17 : memref<!tpu.dma_semaphore, #tpu.memory_space<semaphore_mem>>) {add = true}
    %min3A_233 = arith.constant 4 : i32
    %min3A_234 = arith.constant 79 : i32
    %min3A_235 = arith.minsi %min3A_233, %min3A_234 : i32
    %mul3A_236 = arith.constant 2 : i32
    %mul3A_237 = arith.muli %min3A_235, %mul3A_236 : i32
    %mul3A_238 = arith.constant 128 : i32
    %mul3A_239 = arith.muli %mul3A_237, %mul3A_238 : i32
    %add3A_240 = arith.addi %mul3A_4, %mul3A_239 : i32
    %dma_start3A_241 = tpu.memref_slice %arg3[%add3A_240] : memref<655360xi32, #tpu.memory_space<hbm>> -> memref<256xi32, #tpu.memory_space<hbm>>
    %dma_start3A_242 = tpu.memref_slice %arg3[%add3A_240] : memref<655360xi32, #tpu.memory_space<hbm>> -> memref<256xi32, #tpu.memory_space<hbm>>
    tpu.enqueue_dma source(%dma_start3A_242 : memref<256xi32, #tpu.memory_space<hbm>>) target(%arg8 : memref<256xi32, #tpu.memory_space<vmem>>) target_semaphore(%arg18 : memref<!tpu.dma_semaphore, #tpu.memory_space<semaphore_mem>>)
    %dma_wait3A_243 = tpu.memref_slice %arg3[%mul3A_4] : memref<655360xi32, #tpu.memory_space<hbm>> -> memref<256xi32, #tpu.memory_space<hbm>>
    %dma_wait3A_244 = tpu.memref_slice %arg3[%mul3A_4] : memref<655360xi32, #tpu.memory_space<hbm>> -> memref<256xi32, #tpu.memory_space<hbm>>
    tpu.wait_dma2 semaphore(%arg21 : memref<!tpu.dma_semaphore, #tpu.memory_space<semaphore_mem>>) src(%dma_wait3A_244 : memref<256xi32, #tpu.memory_space<hbm>>) dst(%arg11 : memref<256xi32, #tpu.memory_space<vmem>>)
    %dma_wait3A_245 = arith.constant 128 : i32
    %dma_wait3A_246 = tpu.memref_slice %arg11[%dma_wait3A_245] : memref<256xi32, #tpu.memory_space<vmem>> -> memref<128xi32, #tpu.memory_space<vmem>>
    %dma_wait3A_247 = arith.constant 0 : i32
    %dma_wait3A_248 = arith.constant 0 : i32
    %dma_wait3A_249 = tpu.memref_slice %arg7[%dma_wait3A_247, %dma_wait3A_248] : memref<10112x64xf32, #tpu.memory_space<vmem_shared>> -> memref<10112x64xf32, #tpu.memory_space<vmem_shared>>
    tpu.wait_indirect_dma semaphore(%arg17 : memref<!tpu.dma_semaphore, #tpu.memory_space<semaphore_mem>>) src(%arg13 : memref<128x64xf32, #tpu.memory_space<vmem>>) dst(%dma_wait3A_249 : memref<10112x64xf32, #tpu.memory_space<vmem_shared>>)
    %dma_start3A_250 = arith.constant 0 : i32
    %dma_start3A_251 = tpu.memref_slice %arg11[%dma_start3A_250] : memref<256xi32, #tpu.memory_space<vmem>> -> memref<128xi32, #tpu.memory_space<vmem>>
    %dma_start3A_252 = arith.constant 0 : i32
    %dma_start3A_253 = arith.constant 0 : i32
    %dma_start3A_254 = tpu.memref_slice %arg6[%dma_start3A_252, %dma_start3A_253] : memref<10112x64xf32, #tpu.memory_space<vmem_shared>> -> memref<10112x64xf32, #tpu.memory_space<vmem_shared>>
    tpu.enqueue_indirect_dma source(%dma_start3A_254 : memref<10112x64xf32, #tpu.memory_space<vmem_shared>>) target(%arg13 : memref<128x64xf32, #tpu.memory_space<vmem>>) offsets(%dma_start3A_251 : memref<128xi32, #tpu.memory_space<vmem>>) semaphore(%arg15 : memref<!tpu.dma_semaphore, #tpu.memory_space<semaphore_mem>>)
    %dma_wait3A_255 = arith.constant 0 : i32
    %dma_wait3A_256 = tpu.memref_slice %arg10[%dma_wait3A_255] : memref<256xi32, #tpu.memory_space<vmem>> -> memref<128xi32, #tpu.memory_space<vmem>>
    %dma_wait3A_257 = arith.constant 0 : i32
    %dma_wait3A_258 = arith.constant 0 : i32
    %dma_wait3A_259 = tpu.memref_slice %arg6[%dma_wait3A_257, %dma_wait3A_258] : memref<10112x64xf32, #tpu.memory_space<vmem_shared>> -> memref<10112x64xf32, #tpu.memory_space<vmem_shared>>
    tpu.wait_indirect_dma semaphore(%arg14 : memref<!tpu.dma_semaphore, #tpu.memory_space<semaphore_mem>>) src(%dma_wait3A_259 : memref<10112x64xf32, #tpu.memory_space<vmem_shared>>) dst(%arg12 : memref<128x64xf32, #tpu.memory_space<vmem>>)
    %dma_start3A_260 = arith.constant 128 : i32
    %dma_start3A_261 = tpu.memref_slice %arg10[%dma_start3A_260] : memref<256xi32, #tpu.memory_space<vmem>> -> memref<128xi32, #tpu.memory_space<vmem>>
    %dma_start3A_262 = arith.constant 0 : i32
    %dma_start3A_263 = arith.constant 0 : i32
    %dma_start3A_264 = tpu.memref_slice %arg7[%dma_start3A_262, %dma_start3A_263] : memref<10112x64xf32, #tpu.memory_space<vmem_shared>> -> memref<10112x64xf32, #tpu.memory_space<vmem_shared>>
    tpu.enqueue_indirect_dma source(%arg12 : memref<128x64xf32, #tpu.memory_space<vmem>>) target(%dma_start3A_264 : memref<10112x64xf32, #tpu.memory_space<vmem_shared>>) offsets(%dma_start3A_261 : memref<128xi32, #tpu.memory_space<vmem>>) semaphore(%arg16 : memref<!tpu.dma_semaphore, #tpu.memory_space<semaphore_mem>>) {add = true}
    %min3A_265 = arith.constant 5 : i32
    %min3A_266 = arith.constant 79 : i32
    %min3A_267 = arith.minsi %min3A_265, %min3A_266 : i32
    %mul3A_268 = arith.constant 2 : i32
    %mul3A_269 = arith.muli %min3A_267, %mul3A_268 : i32
    %mul3A_270 = arith.constant 128 : i32
    %mul3A_271 = arith.muli %mul3A_269, %mul3A_270 : i32
    %add3A_272 = arith.addi %mul3A_4, %mul3A_271 : i32
    %dma_start3A_273 = tpu.memref_slice %arg3[%add3A_272] : memref<655360xi32, #tpu.memory_space<hbm>> -> memref<256xi32, #tpu.memory_space<hbm>>
    %dma_start3A_274 = tpu.memref_slice %arg3[%add3A_272] : memref<655360xi32, #tpu.memory_space<hbm>> -> memref<256xi32, #tpu.memory_space<hbm>>
    tpu.enqueue_dma source(%dma_start3A_274 : memref<256xi32, #tpu.memory_space<hbm>>) target(%arg9 : memref<256xi32, #tpu.memory_space<vmem>>) target_semaphore(%arg19 : memref<!tpu.dma_semaphore, #tpu.memory_space<semaphore_mem>>)
    %dma_wait3A_275 = tpu.memref_slice %arg3[%mul3A_4] : memref<655360xi32, #tpu.memory_space<hbm>> -> memref<256xi32, #tpu.memory_space<hbm>>
    %dma_wait3A_276 = tpu.memref_slice %arg3[%mul3A_4] : memref<655360xi32, #tpu.memory_space<hbm>> -> memref<256xi32, #tpu.memory_space<hbm>>
    tpu.wait_dma2 semaphore(%arg18 : memref<!tpu.dma_semaphore, #tpu.memory_space<semaphore_mem>>) src(%dma_wait3A_276 : memref<256xi32, #tpu.memory_space<hbm>>) dst(%arg8 : memref<256xi32, #tpu.memory_space<vmem>>)
    %dma_wait3A_277 = arith.constant 128 : i32
    %dma_wait3A_278 = tpu.memref_slice %arg8[%dma_wait3A_277] : memref<256xi32, #tpu.memory_space<vmem>> -> memref<128xi32, #tpu.memory_space<vmem>>
    %dma_wait3A_279 = arith.constant 0 : i32
    %dma_wait3A_280 = arith.constant 0 : i32
    %dma_wait3A_281 = tpu.memref_slice %arg7[%dma_wait3A_279, %dma_wait3A_280] : memref<10112x64xf32, #tpu.memory_space<vmem_shared>> -> memref<10112x64xf32, #tpu.memory_space<vmem_shared>>
    tpu.wait_indirect_dma semaphore(%arg16 : memref<!tpu.dma_semaphore, #tpu.memory_space<semaphore_mem>>) src(%arg12 : memref<128x64xf32, #tpu.memory_space<vmem>>) dst(%dma_wait3A_281 : memref<10112x64xf32, #tpu.memory_space<vmem_shared>>)
    %dma_start3A_282 = arith.constant 0 : i32
    %dma_start3A_283 = tpu.memref_slice %arg8[%dma_start3A_282] : memref<256xi32, #tpu.memory_space<vmem>> -> memref<128xi32, #tpu.memory_space<vmem>>
    %dma_start3A_284 = arith.constant 0 : i32
    %dma_start3A_285 = arith.constant 0 : i32
    %dma_start3A_286 = tpu.memref_slice %arg6[%dma_start3A_284, %dma_start3A_285] : memref<10112x64xf32, #tpu.memory_space<vmem_shared>> -> memref<10112x64xf32, #tpu.memory_space<vmem_shared>>
    tpu.enqueue_indirect_dma source(%dma_start3A_286 : memref<10112x64xf32, #tpu.memory_space<vmem_shared>>) target(%arg12 : memref<128x64xf32, #tpu.memory_space<vmem>>) offsets(%dma_start3A_283 : memref<128xi32, #tpu.memory_space<vmem>>) semaphore(%arg14 : memref<!tpu.dma_semaphore, #tpu.memory_space<semaphore_mem>>)
    %dma_wait3A_287 = arith.constant 0 : i32
    %dma_wait3A_288 = tpu.memref_slice %arg11[%dma_wait3A_287] : memref<256xi32, #tpu.memory_space<vmem>> -> memref<128xi32, #tpu.memory_space<vmem>>
    %dma_wait3A_289 = arith.constant 0 : i32
    %dma_wait3A_290 = arith.constant 0 : i32
    %dma_wait3A_291 = tpu.memref_slice %arg6[%dma_wait3A_289, %dma_wait3A_290] : memref<10112x64xf32, #tpu.memory_space<vmem_shared>> -> memref<10112x64xf32, #tpu.memory_space<vmem_shared>>
    tpu.wait_indirect_dma semaphore(%arg15 : memref<!tpu.dma_semaphore, #tpu.memory_space<semaphore_mem>>) src(%dma_wait3A_291 : memref<10112x64xf32, #tpu.memory_space<vmem_shared>>) dst(%arg13 : memref<128x64xf32, #tpu.memory_space<vmem>>)
    %dma_start3A_292 = arith.constant 128 : i32
    %dma_start3A_293 = tpu.memref_slice %arg11[%dma_start3A_292] : memref<256xi32, #tpu.memory_space<vmem>> -> memref<128xi32, #tpu.memory_space<vmem>>
    %dma_start3A_294 = arith.constant 0 : i32
    %dma_start3A_295 = arith.constant 0 : i32
    %dma_start3A_296 = tpu.memref_slice %arg7[%dma_start3A_294, %dma_start3A_295] : memref<10112x64xf32, #tpu.memory_space<vmem_shared>> -> memref<10112x64xf32, #tpu.memory_space<vmem_shared>>
    tpu.enqueue_indirect_dma source(%arg13 : memref<128x64xf32, #tpu.memory_space<vmem>>) target(%dma_start3A_296 : memref<10112x64xf32, #tpu.memory_space<vmem_shared>>) offsets(%dma_start3A_293 : memref<128xi32, #tpu.memory_space<vmem>>) semaphore(%arg17 : memref<!tpu.dma_semaphore, #tpu.memory_space<semaphore_mem>>) {add = true}
    %min3A_297 = arith.constant 6 : i32
    %min3A_298 = arith.constant 79 : i32
    %min3A_299 = arith.minsi %min3A_297, %min3A_298 : i32
    %mul3A_300 = arith.constant 2 : i32
    %mul3A_301 = arith.muli %min3A_299, %mul3A_300 : i32
    %mul3A_302 = arith.constant 128 : i32
    %mul3A_303 = arith.muli %mul3A_301, %mul3A_302 : i32
    %add3A_304 = arith.addi %mul3A_4, %mul3A_303 : i32
    %dma_start3A_305 = tpu.memref_slice %arg3[%add3A_304] : memref<655360xi32, #tpu.memory_space<hbm>> -> memref<256xi32, #tpu.memory_space<hbm>>
    %dma_start3A_306 = tpu.memref_slice %arg3[%add3A_304] : memref<655360xi32, #tpu.memory_space<hbm>> -> memref<256xi32, #tpu.memory_space<hbm>>
    tpu.enqueue_dma source(%dma_start3A_306 : memref<256xi32, #tpu.memory_space<hbm>>) target(%arg10 : memref<256xi32, #tpu.memory_space<vmem>>) target_semaphore(%arg20 : memref<!tpu.dma_semaphore, #tpu.memory_space<semaphore_mem>>)
    %scan3A_307 = arith.constant 1 : i32
    %scan3A_308 = arith.constant 19 : i32
    %scan3A_309 = arith.addi %scan3A_307, %scan3A_308 : i32
    %scan3A_310 = arith.constant 1 : i32
    scf.for %scan3A_333 = %scan3A_307 to %scan3A_309 step %scan3A_310  : i32 {
      %mul3A_334 = arith.constant 4 : i32
      %mul3A_335 = arith.muli %mul3A_334, %scan3A_333 : i32
      %dma_wait3A_336 = tpu.memref_slice %arg3[%mul3A_4] : memref<655360xi32, #tpu.memory_space<hbm>> -> memref<256xi32, #tpu.memory_space<hbm>>
      %dma_wait3A_337 = tpu.memref_slice %arg3[%mul3A_4] : memref<655360xi32, #tpu.memory_space<hbm>> -> memref<256xi32, #tpu.memory_space<hbm>>
      tpu.wait_dma2 semaphore(%arg19 : memref<!tpu.dma_semaphore, #tpu.memory_space<semaphore_mem>>) src(%dma_wait3A_337 : memref<256xi32, #tpu.memory_space<hbm>>) dst(%arg9 : memref<256xi32, #tpu.memory_space<vmem>>)
      %dma_wait3A_338 = arith.constant 128 : i32
      %dma_wait3A_339 = tpu.memref_slice %arg9[%dma_wait3A_338] : memref<256xi32, #tpu.memory_space<vmem>> -> memref<128xi32, #tpu.memory_space<vmem>>
      %dma_wait3A_340 = arith.constant 0 : i32
      %dma_wait3A_341 = arith.constant 0 : i32
      %dma_wait3A_342 = tpu.memref_slice %arg7[%dma_wait3A_340, %dma_wait3A_341] : memref<10112x64xf32, #tpu.memory_space<vmem_shared>> -> memref<10112x64xf32, #tpu.memory_space<vmem_shared>>
      tpu.wait_indirect_dma semaphore(%arg17 : memref<!tpu.dma_semaphore, #tpu.memory_space<semaphore_mem>>) src(%arg13 : memref<128x64xf32, #tpu.memory_space<vmem>>) dst(%dma_wait3A_342 : memref<10112x64xf32, #tpu.memory_space<vmem_shared>>)
      %dma_start3A_343 = arith.constant 0 : i32
      %dma_start3A_344 = tpu.memref_slice %arg9[%dma_start3A_343] : memref<256xi32, #tpu.memory_space<vmem>> -> memref<128xi32, #tpu.memory_space<vmem>>
      %dma_start3A_345 = arith.constant 0 : i32
      %dma_start3A_346 = arith.constant 0 : i32
      %dma_start3A_347 = tpu.memref_slice %arg6[%dma_start3A_345, %dma_start3A_346] : memref<10112x64xf32, #tpu.memory_space<vmem_shared>> -> memref<10112x64xf32, #tpu.memory_space<vmem_shared>>
      tpu.enqueue_indirect_dma source(%dma_start3A_347 : memref<10112x64xf32, #tpu.memory_space<vmem_shared>>) target(%arg13 : memref<128x64xf32, #tpu.memory_space<vmem>>) offsets(%dma_start3A_344 : memref<128xi32, #tpu.memory_space<vmem>>) semaphore(%arg15 : memref<!tpu.dma_semaphore, #tpu.memory_space<semaphore_mem>>)
      %dma_wait3A_348 = arith.constant 0 : i32
      %dma_wait3A_349 = tpu.memref_slice %arg8[%dma_wait3A_348] : memref<256xi32, #tpu.memory_space<vmem>> -> memref<128xi32, #tpu.memory_space<vmem>>
      %dma_wait3A_350 = arith.constant 0 : i32
      %dma_wait3A_351 = arith.constant 0 : i32
      %dma_wait3A_352 = tpu.memref_slice %arg6[%dma_wait3A_350, %dma_wait3A_351] : memref<10112x64xf32, #tpu.memory_space<vmem_shared>> -> memref<10112x64xf32, #tpu.memory_space<vmem_shared>>
      tpu.wait_indirect_dma semaphore(%arg14 : memref<!tpu.dma_semaphore, #tpu.memory_space<semaphore_mem>>) src(%dma_wait3A_352 : memref<10112x64xf32, #tpu.memory_space<vmem_shared>>) dst(%arg12 : memref<128x64xf32, #tpu.memory_space<vmem>>)
      %dma_start3A_353 = arith.constant 128 : i32
      %dma_start3A_354 = tpu.memref_slice %arg8[%dma_start3A_353] : memref<256xi32, #tpu.memory_space<vmem>> -> memref<128xi32, #tpu.memory_space<vmem>>
      %dma_start3A_355 = arith.constant 0 : i32
      %dma_start3A_356 = arith.constant 0 : i32
      %dma_start3A_357 = tpu.memref_slice %arg7[%dma_start3A_355, %dma_start3A_356] : memref<10112x64xf32, #tpu.memory_space<vmem_shared>> -> memref<10112x64xf32, #tpu.memory_space<vmem_shared>>
      tpu.enqueue_indirect_dma source(%arg12 : memref<128x64xf32, #tpu.memory_space<vmem>>) target(%dma_start3A_357 : memref<10112x64xf32, #tpu.memory_space<vmem_shared>>) offsets(%dma_start3A_354 : memref<128xi32, #tpu.memory_space<vmem>>) semaphore(%arg16 : memref<!tpu.dma_semaphore, #tpu.memory_space<semaphore_mem>>) {add = true}
      %add3A_358 = arith.constant 0 : i32
      %add3A_359 = arith.addi %mul3A_335, %add3A_358 : i32
      %add3A_360 = arith.constant 3 : i32
      %add3A_361 = arith.addi %add3A_359, %add3A_360 : i32
      %min3A_362 = arith.constant 79 : i32
      %min3A_363 = arith.minsi %add3A_361, %min3A_362 : i32
      %mul3A_364 = arith.constant 2 : i32
      %mul3A_365 = arith.muli %min3A_363, %mul3A_364 : i32
      %mul3A_366 = arith.constant 128 : i32
      %mul3A_367 = arith.muli %mul3A_365, %mul3A_366 : i32
      %add3A_368 = arith.addi %mul3A_4, %mul3A_367 : i32
      %dma_start3A_369 = tpu.memref_slice %arg3[%add3A_368] : memref<655360xi32, #tpu.memory_space<hbm>> -> memref<256xi32, #tpu.memory_space<hbm>>
      %dma_start3A_370 = tpu.memref_slice %arg3[%add3A_368] : memref<655360xi32, #tpu.memory_space<hbm>> -> memref<256xi32, #tpu.memory_space<hbm>>
      tpu.enqueue_dma source(%dma_start3A_370 : memref<256xi32, #tpu.memory_space<hbm>>) target(%arg11 : memref<256xi32, #tpu.memory_space<vmem>>) target_semaphore(%arg21 : memref<!tpu.dma_semaphore, #tpu.memory_space<semaphore_mem>>)
      %mul3A_371 = arith.constant 4 : i32
      %mul3A_372 = arith.muli %mul3A_371, %scan3A_333 : i32
      %dma_wait3A_373 = tpu.memref_slice %arg3[%mul3A_4] : memref<655360xi32, #tpu.memory_space<hbm>> -> memref<256xi32, #tpu.memory_space<hbm>>
      %dma_wait3A_374 = tpu.memref_slice %arg3[%mul3A_4] : memref<655360xi32, #tpu.memory_space<hbm>> -> memref<256xi32, #tpu.memory_space<hbm>>
      tpu.wait_dma2 semaphore(%arg20 : memref<!tpu.dma_semaphore, #tpu.memory_space<semaphore_mem>>) src(%dma_wait3A_374 : memref<256xi32, #tpu.memory_space<hbm>>) dst(%arg10 : memref<256xi32, #tpu.memory_space<vmem>>)
      %dma_wait3A_375 = arith.constant 128 : i32
      %dma_wait3A_376 = tpu.memref_slice %arg10[%dma_wait3A_375] : memref<256xi32, #tpu.memory_space<vmem>> -> memref<128xi32, #tpu.memory_space<vmem>>
      %dma_wait3A_377 = arith.constant 0 : i32
      %dma_wait3A_378 = arith.constant 0 : i32
      %dma_wait3A_379 = tpu.memref_slice %arg7[%dma_wait3A_377, %dma_wait3A_378] : memref<10112x64xf32, #tpu.memory_space<vmem_shared>> -> memref<10112x64xf32, #tpu.memory_space<vmem_shared>>
      tpu.wait_indirect_dma semaphore(%arg16 : memref<!tpu.dma_semaphore, #tpu.memory_space<semaphore_mem>>) src(%arg12 : memref<128x64xf32, #tpu.memory_space<vmem>>) dst(%dma_wait3A_379 : memref<10112x64xf32, #tpu.memory_space<vmem_shared>>)
      %dma_start3A_380 = arith.constant 0 : i32
      %dma_start3A_381 = tpu.memref_slice %arg10[%dma_start3A_380] : memref<256xi32, #tpu.memory_space<vmem>> -> memref<128xi32, #tpu.memory_space<vmem>>
      %dma_start3A_382 = arith.constant 0 : i32
      %dma_start3A_383 = arith.constant 0 : i32
      %dma_start3A_384 = tpu.memref_slice %arg6[%dma_start3A_382, %dma_start3A_383] : memref<10112x64xf32, #tpu.memory_space<vmem_shared>> -> memref<10112x64xf32, #tpu.memory_space<vmem_shared>>
      tpu.enqueue_indirect_dma source(%dma_start3A_384 : memref<10112x64xf32, #tpu.memory_space<vmem_shared>>) target(%arg12 : memref<128x64xf32, #tpu.memory_space<vmem>>) offsets(%dma_start3A_381 : memref<128xi32, #tpu.memory_space<vmem>>) semaphore(%arg14 : memref<!tpu.dma_semaphore, #tpu.memory_space<semaphore_mem>>)
      %dma_wait3A_385 = arith.constant 0 : i32
      %dma_wait3A_386 = tpu.memref_slice %arg9[%dma_wait3A_385] : memref<256xi32, #tpu.memory_space<vmem>> -> memref<128xi32, #tpu.memory_space<vmem>>
      %dma_wait3A_387 = arith.constant 0 : i32
      %dma_wait3A_388 = arith.constant 0 : i32
      %dma_wait3A_389 = tpu.memref_slice %arg6[%dma_wait3A_387, %dma_wait3A_388] : memref<10112x64xf32, #tpu.memory_space<vmem_shared>> -> memref<10112x64xf32, #tpu.memory_space<vmem_shared>>
      tpu.wait_indirect_dma semaphore(%arg15 : memref<!tpu.dma_semaphore, #tpu.memory_space<semaphore_mem>>) src(%dma_wait3A_389 : memref<10112x64xf32, #tpu.memory_space<vmem_shared>>) dst(%arg13 : memref<128x64xf32, #tpu.memory_space<vmem>>)
      %dma_start3A_390 = arith.constant 128 : i32
      %dma_start3A_391 = tpu.memref_slice %arg9[%dma_start3A_390] : memref<256xi32, #tpu.memory_space<vmem>> -> memref<128xi32, #tpu.memory_space<vmem>>
      %dma_start3A_392 = arith.constant 0 : i32
      %dma_start3A_393 = arith.constant 0 : i32
      %dma_start3A_394 = tpu.memref_slice %arg7[%dma_start3A_392, %dma_start3A_393] : memref<10112x64xf32, #tpu.memory_space<vmem_shared>> -> memref<10112x64xf32, #tpu.memory_space<vmem_shared>>
      tpu.enqueue_indirect_dma source(%arg13 : memref<128x64xf32, #tpu.memory_space<vmem>>) target(%dma_start3A_394 : memref<10112x64xf32, #tpu.memory_space<vmem_shared>>) offsets(%dma_start3A_391 : memref<128xi32, #tpu.memory_space<vmem>>) semaphore(%arg17 : memref<!tpu.dma_semaphore, #tpu.memory_space<semaphore_mem>>) {add = true}
      %add3A_395 = arith.constant 1 : i32
      %add3A_396 = arith.addi %mul3A_372, %add3A_395 : i32
      %add3A_397 = arith.constant 3 : i32
      %add3A_398 = arith.addi %add3A_396, %add3A_397 : i32
      %min3A_399 = arith.constant 79 : i32
      %min3A_400 = arith.minsi %add3A_398, %min3A_399 : i32
      %mul3A_401 = arith.constant 2 : i32
      %mul3A_402 = arith.muli %min3A_400, %mul3A_401 : i32
      %mul3A_403 = arith.constant 128 : i32
      %mul3A_404 = arith.muli %mul3A_402, %mul3A_403 : i32
      %add3A_405 = arith.addi %mul3A_4, %mul3A_404 : i32
      %dma_start3A_406 = tpu.memref_slice %arg3[%add3A_405] : memref<655360xi32, #tpu.memory_space<hbm>> -> memref<256xi32, #tpu.memory_space<hbm>>
      %dma_start3A_407 = tpu.memref_slice %arg3[%add3A_405] : memref<655360xi32, #tpu.memory_space<hbm>> -> memref<256xi32, #tpu.memory_space<hbm>>
      tpu.enqueue_dma source(%dma_start3A_407 : memref<256xi32, #tpu.memory_space<hbm>>) target(%arg8 : memref<256xi32, #tpu.memory_space<vmem>>) target_semaphore(%arg18 : memref<!tpu.dma_semaphore, #tpu.memory_space<semaphore_mem>>)
      %mul3A_408 = arith.constant 4 : i32
      %mul3A_409 = arith.muli %mul3A_408, %scan3A_333 : i32
      %dma_wait3A_410 = tpu.memref_slice %arg3[%mul3A_4] : memref<655360xi32, #tpu.memory_space<hbm>> -> memref<256xi32, #tpu.memory_space<hbm>>
      %dma_wait3A_411 = tpu.memref_slice %arg3[%mul3A_4] : memref<655360xi32, #tpu.memory_space<hbm>> -> memref<256xi32, #tpu.memory_space<hbm>>
      tpu.wait_dma2 semaphore(%arg21 : memref<!tpu.dma_semaphore, #tpu.memory_space<semaphore_mem>>) src(%dma_wait3A_411 : memref<256xi32, #tpu.memory_space<hbm>>) dst(%arg11 : memref<256xi32, #tpu.memory_space<vmem>>)
      %dma_wait3A_412 = arith.constant 128 : i32
      %dma_wait3A_413 = tpu.memref_slice %arg11[%dma_wait3A_412] : memref<256xi32, #tpu.memory_space<vmem>> -> memref<128xi32, #tpu.memory_space<vmem>>
      %dma_wait3A_414 = arith.constant 0 : i32
      %dma_wait3A_415 = arith.constant 0 : i32
      %dma_wait3A_416 = tpu.memref_slice %arg7[%dma_wait3A_414, %dma_wait3A_415] : memref<10112x64xf32, #tpu.memory_space<vmem_shared>> -> memref<10112x64xf32, #tpu.memory_space<vmem_shared>>
      tpu.wait_indirect_dma semaphore(%arg17 : memref<!tpu.dma_semaphore, #tpu.memory_space<semaphore_mem>>) src(%arg13 : memref<128x64xf32, #tpu.memory_space<vmem>>) dst(%dma_wait3A_416 : memref<10112x64xf32, #tpu.memory_space<vmem_shared>>)
      %dma_start3A_417 = arith.constant 0 : i32
      %dma_start3A_418 = tpu.memref_slice %arg11[%dma_start3A_417] : memref<256xi32, #tpu.memory_space<vmem>> -> memref<128xi32, #tpu.memory_space<vmem>>
      %dma_start3A_419 = arith.constant 0 : i32
      %dma_start3A_420 = arith.constant 0 : i32
      %dma_start3A_421 = tpu.memref_slice %arg6[%dma_start3A_419, %dma_start3A_420] : memref<10112x64xf32, #tpu.memory_space<vmem_shared>> -> memref<10112x64xf32, #tpu.memory_space<vmem_shared>>
      tpu.enqueue_indirect_dma source(%dma_start3A_421 : memref<10112x64xf32, #tpu.memory_space<vmem_shared>>) target(%arg13 : memref<128x64xf32, #tpu.memory_space<vmem>>) offsets(%dma_start3A_418 : memref<128xi32, #tpu.memory_space<vmem>>) semaphore(%arg15 : memref<!tpu.dma_semaphore, #tpu.memory_space<semaphore_mem>>)
      %dma_wait3A_422 = arith.constant 0 : i32
      %dma_wait3A_423 = tpu.memref_slice %arg10[%dma_wait3A_422] : memref<256xi32, #tpu.memory_space<vmem>> -> memref<128xi32, #tpu.memory_space<vmem>>
      %dma_wait3A_424 = arith.constant 0 : i32
      %dma_wait3A_425 = arith.constant 0 : i32
      %dma_wait3A_426 = tpu.memref_slice %arg6[%dma_wait3A_424, %dma_wait3A_425] : memref<10112x64xf32, #tpu.memory_space<vmem_shared>> -> memref<10112x64xf32, #tpu.memory_space<vmem_shared>>
      tpu.wait_indirect_dma semaphore(%arg14 : memref<!tpu.dma_semaphore, #tpu.memory_space<semaphore_mem>>) src(%dma_wait3A_426 : memref<10112x64xf32, #tpu.memory_space<vmem_shared>>) dst(%arg12 : memref<128x64xf32, #tpu.memory_space<vmem>>)
      %dma_start3A_427 = arith.constant 128 : i32
      %dma_start3A_428 = tpu.memref_slice %arg10[%dma_start3A_427] : memref<256xi32, #tpu.memory_space<vmem>> -> memref<128xi32, #tpu.memory_space<vmem>>
      %dma_start3A_429 = arith.constant 0 : i32
      %dma_start3A_430 = arith.constant 0 : i32
      %dma_start3A_431 = tpu.memref_slice %arg7[%dma_start3A_429, %dma_start3A_430] : memref<10112x64xf32, #tpu.memory_space<vmem_shared>> -> memref<10112x64xf32, #tpu.memory_space<vmem_shared>>
      tpu.enqueue_indirect_dma source(%arg12 : memref<128x64xf32, #tpu.memory_space<vmem>>) target(%dma_start3A_431 : memref<10112x64xf32, #tpu.memory_space<vmem_shared>>) offsets(%dma_start3A_428 : memref<128xi32, #tpu.memory_space<vmem>>) semaphore(%arg16 : memref<!tpu.dma_semaphore, #tpu.memory_space<semaphore_mem>>) {add = true}
      %add3A_432 = arith.constant 2 : i32
      %add3A_433 = arith.addi %mul3A_409, %add3A_432 : i32
      %add3A_434 = arith.constant 3 : i32
      %add3A_435 = arith.addi %add3A_433, %add3A_434 : i32
      %min3A_436 = arith.constant 79 : i32
      %min3A_437 = arith.minsi %add3A_435, %min3A_436 : i32
      %mul3A_438 = arith.constant 2 : i32
      %mul3A_439 = arith.muli %min3A_437, %mul3A_438 : i32
      %mul3A_440 = arith.constant 128 : i32
      %mul3A_441 = arith.muli %mul3A_439, %mul3A_440 : i32
      %add3A_442 = arith.addi %mul3A_4, %mul3A_441 : i32
      %dma_start3A_443 = tpu.memref_slice %arg3[%add3A_442] : memref<655360xi32, #tpu.memory_space<hbm>> -> memref<256xi32, #tpu.memory_space<hbm>>
      %dma_start3A_444 = tpu.memref_slice %arg3[%add3A_442] : memref<655360xi32, #tpu.memory_space<hbm>> -> memref<256xi32, #tpu.memory_space<hbm>>
      tpu.enqueue_dma source(%dma_start3A_444 : memref<256xi32, #tpu.memory_space<hbm>>) target(%arg9 : memref<256xi32, #tpu.memory_space<vmem>>) target_semaphore(%arg19 : memref<!tpu.dma_semaphore, #tpu.memory_space<semaphore_mem>>)
      %mul3A_445 = arith.constant 4 : i32
      %mul3A_446 = arith.muli %mul3A_445, %scan3A_333 : i32
      %dma_wait3A_447 = tpu.memref_slice %arg3[%mul3A_4] : memref<655360xi32, #tpu.memory_space<hbm>> -> memref<256xi32, #tpu.memory_space<hbm>>
      %dma_wait3A_448 = tpu.memref_slice %arg3[%mul3A_4] : memref<655360xi32, #tpu.memory_space<hbm>> -> memref<256xi32, #tpu.memory_space<hbm>>
      tpu.wait_dma2 semaphore(%arg18 : memref<!tpu.dma_semaphore, #tpu.memory_space<semaphore_mem>>) src(%dma_wait3A_448 : memref<256xi32, #tpu.memory_space<hbm>>) dst(%arg8 : memref<256xi32, #tpu.memory_space<vmem>>)
      %dma_wait3A_449 = arith.constant 128 : i32
      %dma_wait3A_450 = tpu.memref_slice %arg8[%dma_wait3A_449] : memref<256xi32, #tpu.memory_space<vmem>> -> memref<128xi32, #tpu.memory_space<vmem>>
      %dma_wait3A_451 = arith.constant 0 : i32
      %dma_wait3A_452 = arith.constant 0 : i32
      %dma_wait3A_453 = tpu.memref_slice %arg7[%dma_wait3A_451, %dma_wait3A_452] : memref<10112x64xf32, #tpu.memory_space<vmem_shared>> -> memref<10112x64xf32, #tpu.memory_space<vmem_shared>>
      tpu.wait_indirect_dma semaphore(%arg16 : memref<!tpu.dma_semaphore, #tpu.memory_space<semaphore_mem>>) src(%arg12 : memref<128x64xf32, #tpu.memory_space<vmem>>) dst(%dma_wait3A_453 : memref<10112x64xf32, #tpu.memory_space<vmem_shared>>)
      %dma_start3A_454 = arith.constant 0 : i32
      %dma_start3A_455 = tpu.memref_slice %arg8[%dma_start3A_454] : memref<256xi32, #tpu.memory_space<vmem>> -> memref<128xi32, #tpu.memory_space<vmem>>
      %dma_start3A_456 = arith.constant 0 : i32
      %dma_start3A_457 = arith.constant 0 : i32
      %dma_start3A_458 = tpu.memref_slice %arg6[%dma_start3A_456, %dma_start3A_457] : memref<10112x64xf32, #tpu.memory_space<vmem_shared>> -> memref<10112x64xf32, #tpu.memory_space<vmem_shared>>
      tpu.enqueue_indirect_dma source(%dma_start3A_458 : memref<10112x64xf32, #tpu.memory_space<vmem_shared>>) target(%arg12 : memref<128x64xf32, #tpu.memory_space<vmem>>) offsets(%dma_start3A_455 : memref<128xi32, #tpu.memory_space<vmem>>) semaphore(%arg14 : memref<!tpu.dma_semaphore, #tpu.memory_space<semaphore_mem>>)
      %dma_wait3A_459 = arith.constant 0 : i32
      %dma_wait3A_460 = tpu.memref_slice %arg11[%dma_wait3A_459] : memref<256xi32, #tpu.memory_space<vmem>> -> memref<128xi32, #tpu.memory_space<vmem>>
      %dma_wait3A_461 = arith.constant 0 : i32
      %dma_wait3A_462 = arith.constant 0 : i32
      %dma_wait3A_463 = tpu.memref_slice %arg6[%dma_wait3A_461, %dma_wait3A_462] : memref<10112x64xf32, #tpu.memory_space<vmem_shared>> -> memref<10112x64xf32, #tpu.memory_space<vmem_shared>>
      tpu.wait_indirect_dma semaphore(%arg15 : memref<!tpu.dma_semaphore, #tpu.memory_space<semaphore_mem>>) src(%dma_wait3A_463 : memref<10112x64xf32, #tpu.memory_space<vmem_shared>>) dst(%arg13 : memref<128x64xf32, #tpu.memory_space<vmem>>)
      %dma_start3A_464 = arith.constant 128 : i32
      %dma_start3A_465 = tpu.memref_slice %arg11[%dma_start3A_464] : memref<256xi32, #tpu.memory_space<vmem>> -> memref<128xi32, #tpu.memory_space<vmem>>
      %dma_start3A_466 = arith.constant 0 : i32
      %dma_start3A_467 = arith.constant 0 : i32
      %dma_start3A_468 = tpu.memref_slice %arg7[%dma_start3A_466, %dma_start3A_467] : memref<10112x64xf32, #tpu.memory_space<vmem_shared>> -> memref<10112x64xf32, #tpu.memory_space<vmem_shared>>
      tpu.enqueue_indirect_dma source(%arg13 : memref<128x64xf32, #tpu.memory_space<vmem>>) target(%dma_start3A_468 : memref<10112x64xf32, #tpu.memory_space<vmem_shared>>) offsets(%dma_start3A_465 : memref<128xi32, #tpu.memory_space<vmem>>) semaphore(%arg17 : memref<!tpu.dma_semaphore, #tpu.memory_space<semaphore_mem>>) {add = true}
      %add3A_469 = arith.constant 3 : i32
      %add3A_470 = arith.addi %mul3A_446, %add3A_469 : i32
      %add3A_471 = arith.constant 3 : i32
      %add3A_472 = arith.addi %add3A_470, %add3A_471 : i32
      %min3A_473 = arith.constant 79 : i32
      %min3A_474 = arith.minsi %add3A_472, %min3A_473 : i32
      %mul3A_475 = arith.constant 2 : i32
      %mul3A_476 = arith.muli %min3A_474, %mul3A_475 : i32
      %mul3A_477 = arith.constant 128 : i32
      %mul3A_478 = arith.muli %mul3A_476, %mul3A_477 : i32
      %add3A_479 = arith.addi %mul3A_4, %mul3A_478 : i32
      %dma_start3A_480 = tpu.memref_slice %arg3[%add3A_479] : memref<655360xi32, #tpu.memory_space<hbm>> -> memref<256xi32, #tpu.memory_space<hbm>>
      %dma_start3A_481 = tpu.memref_slice %arg3[%add3A_479] : memref<655360xi32, #tpu.memory_space<hbm>> -> memref<256xi32, #tpu.memory_space<hbm>>
      tpu.enqueue_dma source(%dma_start3A_481 : memref<256xi32, #tpu.memory_space<hbm>>) target(%arg10 : memref<256xi32, #tpu.memory_space<vmem>>) target_semaphore(%arg20 : memref<!tpu.dma_semaphore, #tpu.memory_space<semaphore_mem>>)
    }
    %scan3A_311 = arith.constant 19 : i32
    %dma_wait3A_312 = arith.constant 0 : i32
    %dma_wait3A_313 = tpu.memref_slice %arg8[%dma_wait3A_312] : memref<256xi32, #tpu.memory_space<vmem>> -> memref<128xi32, #tpu.memory_space<vmem>>
    %dma_wait3A_314 = arith.constant 0 : i32
    %dma_wait3A_315 = arith.constant 0 : i32
    %dma_wait3A_316 = tpu.memref_slice %arg6[%dma_wait3A_314, %dma_wait3A_315] : memref<10112x64xf32, #tpu.memory_space<vmem_shared>> -> memref<10112x64xf32, #tpu.memory_space<vmem_shared>>
    tpu.wait_indirect_dma semaphore(%arg14 : memref<!tpu.dma_semaphore, #tpu.memory_space<semaphore_mem>>) src(%dma_wait3A_316 : memref<10112x64xf32, #tpu.memory_space<vmem_shared>>) dst(%arg12 : memref<128x64xf32, #tpu.memory_space<vmem>>)
    %dma_wait3A_317 = arith.constant 128 : i32
    %dma_wait3A_318 = tpu.memref_slice %arg11[%dma_wait3A_317] : memref<256xi32, #tpu.memory_space<vmem>> -> memref<128xi32, #tpu.memory_space<vmem>>
    %dma_wait3A_319 = arith.constant 0 : i32
    %dma_wait3A_320 = arith.constant 0 : i32
    %dma_wait3A_321 = tpu.memref_slice %arg7[%dma_wait3A_319, %dma_wait3A_320] : memref<10112x64xf32, #tpu.memory_space<vmem_shared>> -> memref<10112x64xf32, #tpu.memory_space<vmem_shared>>
    tpu.wait_indirect_dma semaphore(%arg17 : memref<!tpu.dma_semaphore, #tpu.memory_space<semaphore_mem>>) src(%arg13 : memref<128x64xf32, #tpu.memory_space<vmem>>) dst(%dma_wait3A_321 : memref<10112x64xf32, #tpu.memory_space<vmem_shared>>)
    %dma_wait3A_322 = tpu.memref_slice %arg3[%mul3A_4] : memref<655360xi32, #tpu.memory_space<hbm>> -> memref<256xi32, #tpu.memory_space<hbm>>
    %dma_wait3A_323 = tpu.memref_slice %arg3[%mul3A_4] : memref<655360xi32, #tpu.memory_space<hbm>> -> memref<256xi32, #tpu.memory_space<hbm>>
    tpu.wait_dma2 semaphore(%arg19 : memref<!tpu.dma_semaphore, #tpu.memory_space<semaphore_mem>>) src(%dma_wait3A_323 : memref<256xi32, #tpu.memory_space<hbm>>) dst(%arg9 : memref<256xi32, #tpu.memory_space<vmem>>)
    %dma_wait3A_324 = tpu.memref_slice %arg3[%mul3A_4] : memref<655360xi32, #tpu.memory_space<hbm>> -> memref<256xi32, #tpu.memory_space<hbm>>
    %dma_wait3A_325 = tpu.memref_slice %arg3[%mul3A_4] : memref<655360xi32, #tpu.memory_space<hbm>> -> memref<256xi32, #tpu.memory_space<hbm>>
    tpu.wait_dma2 semaphore(%arg20 : memref<!tpu.dma_semaphore, #tpu.memory_space<semaphore_mem>>) src(%dma_wait3A_325 : memref<256xi32, #tpu.memory_space<hbm>>) dst(%arg10 : memref<256xi32, #tpu.memory_space<vmem>>)
    %barrier3A_326 = arith.constant 0 : index
    tpu.barrier barrier_id(%barrier3A_326)
    %lt3A_327 = arith.constant 10 : i32
    %lt3A_328 = arith.cmpi slt, %arg1, %lt3A_327 : i32
    %convert_element_type3A_329 = arith.extui %lt3A_328 : i1 to i32
    %cond3A_330 = arith.constant 0 : i32
    %cond3A_331 = arith.cmpi ne, %convert_element_type3A_329, %cond3A_330 : i32
    scf.if %cond3A_331 {
      %mul3A_333 = arith.constant 1000 : i32
      %mul3A_334 = arith.muli %arg1, %mul3A_333 : i32
      %mul3A_335 = arith.constant 10000 : i32
      %mul3A_336 = arith.muli %arg0, %mul3A_335 : i32
      %mul3A_337 = arith.constant 1000 : i32
      %mul3A_338 = arith.muli %arg1, %mul3A_337 : i32
      %add3A_339 = arith.addi %mul3A_336, %mul3A_338 : i32
      %run_scoped3A = arith.constant 1 : i32
      "tpu.region"() ({
        %run_scoped3A_340 = tpu.sem_alloc : memref<!tpu.dma_semaphore, #tpu.memory_space<semaphore_mem>>
        %dma_start3A_341 = arith.constant 0 : i32
        %dma_start3A_342 = tpu.memref_slice %arg5[%run_scoped3A, %add3A_339, %dma_start3A_341] : memref<2x20000x64xf32, #tpu.memory_space<hbm>> -> memref<1x1000x64xf32, #tpu.memory_space<hbm>>
        %dma_start3A_343 = tpu.memref_squeeze %dma_start3A_342 : memref<1x1000x64xf32, #tpu.memory_space<hbm>> -> memref<1000x64xf32, #tpu.memory_space<hbm>>
        %dma_start3A_344 = arith.constant 0 : i32
        %dma_start3A_345 = tpu.memref_slice %arg7[%mul3A_334, %dma_start3A_344] : memref<10112x64xf32, #tpu.memory_space<vmem_shared>> -> memref<1000x64xf32, #tpu.memory_space<vmem_shared>>
        tpu.enqueue_dma source(%dma_start3A_345 : memref<1000x64xf32, #tpu.memory_space<vmem_shared>>) target(%dma_start3A_343 : memref<1000x64xf32, #tpu.memory_space<hbm>>) target_semaphore(%run_scoped3A_340 : memref<!tpu.dma_semaphore, #tpu.memory_space<semaphore_mem>>)
        %dma_wait3A_346 = arith.constant 0 : i32
        %dma_wait3A_347 = tpu.memref_slice %arg5[%run_scoped3A, %add3A_339, %dma_wait3A_346] : memref<2x20000x64xf32, #tpu.memory_space<hbm>> -> memref<1x1000x64xf32, #tpu.memory_space<hbm>>
        %dma_wait3A_348 = tpu.memref_squeeze %dma_wait3A_347 : memref<1x1000x64xf32, #tpu.memory_space<hbm>> -> memref<1000x64xf32, #tpu.memory_space<hbm>>
        %dma_wait3A_349 = arith.constant 0 : i32
        %dma_wait3A_350 = tpu.memref_slice %arg7[%mul3A_334, %dma_wait3A_349] : memref<10112x64xf32, #tpu.memory_space<vmem_shared>> -> memref<1000x64xf32, #tpu.memory_space<vmem_shared>>
        tpu.wait_dma2 semaphore(%run_scoped3A_340 : memref<!tpu.dma_semaphore, #tpu.memory_space<semaphore_mem>>) src(%dma_wait3A_350 : memref<1000x64xf32, #tpu.memory_space<vmem_shared>>) dst(%dma_wait3A_348 : memref<1000x64xf32, #tpu.memory_space<hbm>>)
        tpu.yield
      }) : () -> ()
    } else {
    }
    %barrier3A_332 = arith.constant 0 : index
    tpu.barrier barrier_id(%barrier3A_332)
    return
  }
}

module attributes {stable_mosaic.version = 14 : i64} {
  func.func @body(%arg0: i32, %arg1: memref<2000x128xf32, #tpu.memory_space<vmem>>, %arg2: memref<1x2000x64xf32, #tpu.memory_space<vmem>>, %arg3: memref<1x2000x64xf32, #tpu.memory_space<vmem>>, %arg4: memref<1x2000x64xf32, #tpu.memory_space<vmem>>, %arg5: memref<1x2000x64xf32, #tpu.memory_space<vmem>>, %arg6: memref<2000x1xf32, #tpu.memory_space<vmem>>, %arg7: memref<128x128xf32, #tpu.memory_space<vmem>>, %arg8: memref<128x128xf32, #tpu.memory_space<vmem>>, %arg9: memref<1x128xf32, #tpu.memory_space<vmem>>, %arg10: memref<1x128xf32, #tpu.memory_space<vmem>>, %arg11: memref<2000x128xf32, #tpu.memory_space<vmem>>) attributes {dimension_semantics = [#tpu.dimension_semantics<arbitrary>], iteration_bounds = array<i64: 5>, scalar_prefetch = 0 : i64, scratch_operands = 0 : i64, tpu.core_type = #tpu.core_type<tc>, window_params = [{transform_indices = @transform_0, window_bounds = array<i64: 2000, 128>}, {transform_indices = @transform_1, window_bounds = array<i64: 1, 2000, 64>}, {transform_indices = @transform_2, window_bounds = array<i64: 1, 2000, 64>}, {transform_indices = @transform_3, window_bounds = array<i64: 1, 2000, 64>}, {transform_indices = @transform_4, window_bounds = array<i64: 1, 2000, 64>}, {transform_indices = @transform_5, window_bounds = array<i64: 2000, 1>}, {pipeline_mode = #tpu.pipeline_mode<synchronous>, transform_indices = @transform_6, window_bounds = array<i64: 128, 128>}, {pipeline_mode = #tpu.pipeline_mode<synchronous>, transform_indices = @transform_7, window_bounds = array<i64: 128, 128>}, {pipeline_mode = #tpu.pipeline_mode<synchronous>, transform_indices = @transform_8, window_bounds = array<i64: 1, 128>}, {pipeline_mode = #tpu.pipeline_mode<synchronous>, transform_indices = @transform_9, window_bounds = array<i64: 1, 128>}, {transform_indices = @transform_10, window_bounds = array<i64: 2000, 128>}]} {
    %get3A = arith.constant 0 : index
    %get3A_0 = arith.constant 0 : index
    %get3A_1 = arith.constant 0 : index
    %get3A_2 = vector.load %arg2[%get3A, %get3A_0, %get3A_1] : memref<1x2000x64xf32, #tpu.memory_space<vmem>>, vector<1x2000x64xf32>
    %get3A_3 = vector.shape_cast %get3A_2 : vector<1x2000x64xf32> to vector<2000x64xf32>
    %get3A_4 = arith.constant 0 : index
    %get3A_5 = arith.constant 0 : index
    %get3A_6 = arith.constant 0 : index
    %get3A_7 = vector.load %arg3[%get3A_4, %get3A_5, %get3A_6] : memref<1x2000x64xf32, #tpu.memory_space<vmem>>, vector<1x2000x64xf32>
    %get3A_8 = vector.shape_cast %get3A_7 : vector<1x2000x64xf32> to vector<2000x64xf32>
    %add3A = arith.addf %get3A_3, %get3A_8 : vector<2000x64xf32>
    %get3A_9 = arith.constant 0 : index
    %get3A_10 = arith.constant 0 : index
    %get3A_11 = arith.constant 0 : index
    %get3A_12 = vector.load %arg4[%get3A_9, %get3A_10, %get3A_11] : memref<1x2000x64xf32, #tpu.memory_space<vmem>>, vector<1x2000x64xf32>
    %get3A_13 = vector.shape_cast %get3A_12 : vector<1x2000x64xf32> to vector<2000x64xf32>
    %get3A_14 = arith.constant 0 : index
    %get3A_15 = arith.constant 0 : index
    %get3A_16 = arith.constant 0 : index
    %get3A_17 = vector.load %arg5[%get3A_14, %get3A_15, %get3A_16] : memref<1x2000x64xf32, #tpu.memory_space<vmem>>, vector<1x2000x64xf32>
    %get3A_18 = vector.shape_cast %get3A_17 : vector<1x2000x64xf32> to vector<2000x64xf32>
    %add3A_19 = arith.addf %get3A_13, %get3A_18 : vector<2000x64xf32>
    %concatenate3A = tpu.concatenate %add3A, %add3A_19 in 1 : vector<2000x64xf32>, vector<2000x64xf32> -> vector<2000x128xf32>
    %get3A_20 = arith.constant 0 : index
    %get3A_21 = arith.constant 0 : index
    %get3A_22 = vector.load %arg6[%get3A_20, %get3A_21] : memref<2000x1xf32, #tpu.memory_space<vmem>>, vector<2000x1xf32>
    %div3A = vector.broadcast %get3A_22 : vector<2000x1xf32> to vector<2000x128xf32>
    %div3A_23 = arith.divf %concatenate3A, %div3A : vector<2000x128xf32>
    %get3A_24 = arith.constant 0 : index
    %get3A_25 = arith.constant 0 : index
    %get3A_26 = vector.load %arg1[%get3A_24, %get3A_25] : memref<2000x128xf32, #tpu.memory_space<vmem>>, vector<2000x128xf32>
    %get3A_27 = arith.constant 0 : index
    %get3A_28 = arith.constant 0 : index
    %get3A_29 = vector.load %arg7[%get3A_27, %get3A_28] : memref<128x128xf32, #tpu.memory_space<vmem>>, vector<128x128xf32>
    %dot_general3A = arith.constant dense<0.000000e+00> : vector<2000x128xf32>
    %dot_general3A_30 = tpu.matmul %get3A_26, %get3A_29, %dot_general3A {dimension_numbers = #tpu.dot_dimension_numbers<[1], [1], [0], [0], [0, 0, 1, 0], [], []>, transpose_lhs_hint = false} : vector<2000x128xf32>, vector<128x128xf32>, vector<2000x128xf32> -> vector<2000x128xf32>
    %get3A_31 = arith.constant 0 : index
    %get3A_32 = arith.constant 0 : index
    %get3A_33 = vector.load %arg8[%get3A_31, %get3A_32] : memref<128x128xf32, #tpu.memory_space<vmem>>, vector<128x128xf32>
    %dot_general3A_34 = arith.constant dense<0.000000e+00> : vector<2000x128xf32>
    %dot_general3A_35 = tpu.matmul %div3A_23, %get3A_33, %dot_general3A_34 {dimension_numbers = #tpu.dot_dimension_numbers<[1], [1], [0], [0], [0, 0, 1, 0], [], []>, transpose_lhs_hint = false} : vector<2000x128xf32>, vector<128x128xf32>, vector<2000x128xf32> -> vector<2000x128xf32>
    %add3A_36 = arith.addf %dot_general3A_30, %dot_general3A_35 : vector<2000x128xf32>
    %get3A_37 = arith.constant 0 : index
    %get3A_38 = arith.constant 0 : index
    %get3A_39 = vector.load %arg9[%get3A_37, %get3A_38] : memref<1x128xf32, #tpu.memory_space<vmem>>, vector<1x128xf32>
    %add3A_40 = vector.broadcast %get3A_39 : vector<1x128xf32> to vector<2000x128xf32>
    %add3A_41 = arith.addf %add3A_36, %add3A_40 : vector<2000x128xf32>
    %get3A_42 = arith.constant 0 : index
    %get3A_43 = arith.constant 0 : index
    %get3A_44 = vector.load %arg10[%get3A_42, %get3A_43] : memref<1x128xf32, #tpu.memory_space<vmem>>, vector<1x128xf32>
    %add3A_45 = vector.broadcast %get3A_44 : vector<1x128xf32> to vector<2000x128xf32>
    %add3A_46 = arith.addf %add3A_41, %add3A_45 : vector<2000x128xf32>
    %swap3A = arith.constant 0 : index
    %swap3A_47 = arith.constant 0 : index
    %swap3A_48 = vector.load %arg11[%swap3A, %swap3A_47] : memref<2000x128xf32, #tpu.memory_space<vmem>>, vector<2000x128xf32>
    tpu.vector_store %arg11[%swap3A, %swap3A_47], %add3A_46 {strides = array<i32>} : memref<2000x128xf32, #tpu.memory_space<vmem>>, vector<2000x128xf32>,
    return
  }
  func.func @transform_0(%arg0: i32) -> (i32, i32) {
    %c0_i32 = arith.constant 0 : i32
    %c0_i32_0 = arith.constant 0 : i32
    return %arg0, %c0_i32 : i32, i32
  }
  func.func @transform_1(%arg0: i32) -> (i32, i32, i32) {
    %c0_i32 = arith.constant 0 : i32
    %c0_i32_0 = arith.constant 0 : i32
    %c0_i32_1 = arith.constant 0 : i32
    return %c0_i32, %arg0, %c0_i32_0 : i32, i32, i32
  }
  func.func @transform_2(%arg0: i32) -> (i32, i32, i32) {
    %add3A = arith.constant 5 : i32
    %add3A_0 = arith.addi %arg0, %add3A : i32
    %c0_i32 = arith.constant 0 : i32
    %c0_i32_1 = arith.constant 0 : i32
    %c0_i32_2 = arith.constant 0 : i32
    return %c0_i32, %add3A_0, %c0_i32_1 : i32, i32, i32
  }
  func.func @transform_3(%arg0: i32) -> (i32, i32, i32) {
    %c1_i32 = arith.constant 1 : i32
    %c0_i32 = arith.constant 0 : i32
    %c0_i32_0 = arith.constant 0 : i32
    return %c1_i32, %arg0, %c0_i32 : i32, i32, i32
  }
  func.func @transform_4(%arg0: i32) -> (i32, i32, i32) {
    %add3A = arith.constant 5 : i32
    %add3A_0 = arith.addi %arg0, %add3A : i32
    %c1_i32 = arith.constant 1 : i32
    %c0_i32 = arith.constant 0 : i32
    %c0_i32_1 = arith.constant 0 : i32
    return %c1_i32, %add3A_0, %c0_i32 : i32, i32, i32
  }
  func.func @transform_5(%arg0: i32) -> (i32, i32) {
    %c0_i32 = arith.constant 0 : i32
    %c0_i32_0 = arith.constant 0 : i32
    return %arg0, %c0_i32 : i32, i32
  }
  func.func @transform_6(%arg0: i32) -> (i32, i32) {
    %c0_i32 = arith.constant 0 : i32
    %c0_i32_0 = arith.constant 0 : i32
    %c0_i32_1 = arith.constant 0 : i32
    return %c0_i32, %c0_i32_0 : i32, i32
  }
  func.func @transform_7(%arg0: i32) -> (i32, i32) {
    %c0_i32 = arith.constant 0 : i32
    %c0_i32_0 = arith.constant 0 : i32
    %c0_i32_1 = arith.constant 0 : i32
    return %c0_i32, %c0_i32_0 : i32, i32
  }
  func.func @transform_8(%arg0: i32) -> (i32, i32) {
    %c0_i32 = arith.constant 0 : i32
    %c0_i32_0 = arith.constant 0 : i32
    %c0_i32_1 = arith.constant 0 : i32
    return %c0_i32, %c0_i32_0 : i32, i32
  }
  func.func @transform_9(%arg0: i32) -> (i32, i32) {
    %c0_i32 = arith.constant 0 : i32
    %c0_i32_0 = arith.constant 0 : i32
    %c0_i32_1 = arith.constant 0 : i32
    return %c0_i32, %c0_i32_0 : i32, i32
  }
  func.func @transform_10(%arg0: i32) -> (i32, i32) {
    %c0_i32 = arith.constant 0 : i32
    %c0_i32_0 = arith.constant 0 : i32
    return %arg0, %c0_i32 : i32, i32
  }
}

</mosaic_0001>

<sc_bundles>
// kernel: kernel.4.cloned.1.call-start
scs
__scs_entry_jumppad:
0x0: {  	(pc) =	sbr.rel $0x88, $3  }
0x1: {  	(tag) =	ssettag $0x0;
	lr =	simm.s32 $0x1  }
0x2: {  	[smem:$0x3F9A] =	sst lr;
	_ =	strace $0xD0000000  }
0x3: {  	_ = 	snop  }
0x4: {  	_ = 	snop  }
0x5: {  	_ = 	snop  }
0x6: {  	_ = 	snop  }
0x7: {  	_ = 	snop  }
__scs_overlays_trampoline_lowered:
0x8: {  	[smem:$0x3FA9] =	sst s0  }
0x9: {  	[smem:$0x3FAA] =	sst s1  }
0xa: {  	[smem:$0x3FAB] =	sst s2  }
0xb: {  	[smem:$0x3FAC] =	sst s3  }
0xc: {  	[smem:$0x3FAD] =	sst s4  }
0xd: {  	[smem:$0x3FAE] =	sst s5  }
0xe: {  	[smem:$0x3FAF] =	sst s6  }
0xf: {  	[smem:$0x3FB0] =	sst s7  }
0x10: {  	[smem:$0x3FB1] =	sst s8  }
0x11: {  	[smem:$0x3FB2] =	sst s9;
	s0 =	simm.s32 @!p0 $0x0  }
0x12: {  	s1 =	sld [smem:$0x3F98];
	s0 =	simm.s32 @p0 $0x1  }
0x13: {  	[smem:$0x3FB3] =	sst s0;
	s0 =	simm.s32 @!p1 $0x0  }
0x14: {  	s2 =	sld [smem:$0x3F97];
	s0 =	simm.s32 @p1 $0x1  }
0x15: {  	[smem:$0x3FB4] =	sst s0;
	s0 =	simm.s32 @!p2 $0x0  }
0x16: {  	s3 =	sld [smem:$0x3FDB];
	s0 =	simm.s32 @p2 $0x1  }
0x17: {  	s4 =	simm.s32 $0x1BF5;
	[smem:$0x3FB6] =	sst s0  }
0x18: {  	s0 =	sld [smem:$0x3F99];
	_ =	swait.ge [sflag:s4], $0x0  }
0x19: {  	s7 =	sld [smem:$0x3F9A]  }
0x1a: {  	s8 =	sadd.s32 $0xFFFFE003, lr  }
0x1b: {  	s9 =	sadd.s32 $0xFFFFFEF7, lr;
	s5 =	simm.s32 $0xFFFFFFFF;
	p2 =	slt.u32 s8, $0xFFFFF086  }
0x1c: {  	p1 =	slt.u32 s9, $0xF7A;
	s5 =	simm.s32 @!p2 $0x0  }
0x1d: {  	s5 =	simm.s32 @p1 $0x1;
	p0 =	seq.s32 s7, s2  }
0x1e: {  	s7 =	smul.u32 @!p0 $0xF7A, s2;
	p2 =	seq.s32 @!p0 s5, $0x0  }
0x1f: {  	s9 =	smul.u32 $0xF7A, s1;
	s8 =	simm.s32 @!p0 $0x1BF5;
	p2 =	por !p2, p0  }
0x20: {  	[sflag:s8] =	ssyncset.s32 @!p0 $0xFFFFF086;
	s6 =	sadd.s32 @!p0 s3, s7;
	s7 =	simm.s32 @!p0 $0x108  }
0x21: {  	s3 =	sadd.s32 s3, s9;
	s6 =	sadd.s32 @!p0 $0x88, s6;
	s7 =	simm.s32 @p2 $0x1082  }
0x22: {  	[simem:s7], [sflag:s8] =	dma.local @!p0 [hbm:s6], $0xF7A  }
0x23: {  	s9 =	sor.u32 $0xD0000000, s2;
	s6 =	simm.s32 $0x108;
	_ =	swait.ge @!p0 [sflag:s8], $0x0  }
0x24: {  	s3 =	sadd.s32 $0x88, s3;
	s6 =	simm.s32 @!p1 $0x1082;
	[sflag:s4] =	ssyncset.s32 $0xFFFFF086  }
0x25: {  	[simem:s6], [sflag:s4] =	dma.local [hbm:s3], $0xF7A  }
0x26: {  	[smem:$0x3F9A] =	sst s1;
	(tag) =	ssettag s2;
	_ =	strace s9  }
0x27: {  	s1 =	sld [smem:$0x3FAA]  }
0x28: {  	s2 =	sld [smem:$0x3FAB]  }
0x29: {  	s4 =	sld [smem:$0x3FAD]  }
0x2a: {  	p0 =	seq.s32 s5, $0x0;
	s5 =	sld [smem:$0x3FAE]  }
0x2b: {  	s6 =	sld [smem:$0x3FAF]  }
0x2c: {  	s7 =	sld [smem:$0x3FB0]  }
0x2d: {  	s3 =	simm.s32 $0x108;
	s8 =	sld [smem:$0x3FB1]  }
0x2e: {  	s3 =	simm.s32 @!p0 $0x1082;
	s9 =	sld [smem:$0x3FB2]  }
0x2f: {  	lr =	sadd.s32 s0, s3;
	s0 =	sld [smem:$0x3FA9]  }
0x30: {  	s3 =	sld [smem:$0x3FAC]  }
0x31: {  	[smem:$0x3FB5] =	sst s10  }
0x32: {  	s10 =	sld [smem:$0x3FB3];
	_ =	sdelay $0x3  }
0x33: {  	p0 =	seq.s32 s10, $0x1;
	s10 =	sld [smem:$0x3FB5];
	_ =	sdelay $0x3  }
0x34: {  	[smem:$0x3FB5] =	sst s10  }
0x35: {  	s10 =	sld [smem:$0x3FB4];
	_ =	sdelay $0x3  }
0x36: {  	p1 =	seq.s32 s10, $0x1;
	s10 =	sld [smem:$0x3FB5];
	_ =	sdelay $0x3  }
0x37: {  	[smem:$0x3FB5] =	sst s10  }
0x38: {  	s10 =	sld [smem:$0x3FB6]  }
0x39: {  	_ = 	snop;
	(pc) =	sbr.ind lr, $3  }
0x3a: {  	_ = 	snop  }
0x3b: {  	_ = 	snop  }
0x3c: {  	p2 =	seq.s32 s10, $0x1;
	s10 =	sld [smem:$0x3FB5]  }
0x3d: {  	_ =	shalt  }
0x3e: {  	_ =	shalt  }
0x3f: {  	_ =	shalt  }
0x40: {  	_ =	shalt  }
0x41: {  	_ =	shalt  }
0x42: {  	_ =	shalt  }
0x43: {  	_ =	shalt  }
0x44: {  	_ =	shalt  }
0x45: {  	_ =	shalt  }
0x46: {  	_ =	shalt  }
0x47: {  	_ =	shalt  }
0x48: {  	_ =	shalt  }
0x49: {  	_ =	shalt  }
0x4a: {  	_ =	shalt  }
0x4b: {  	_ =	shalt  }
0x4c: {  	_ =	shalt  }
0x4d: {  	_ =	shalt  }
0x4e: {  	_ =	shalt  }
0x4f: {  	_ =	shalt  }
0x50: {  	_ =	shalt  }
0x51: {  	_ =	shalt  }
0x52: {  	_ =	shalt  }
0x53: {  	_ =	shalt  }
0x54: {  	_ =	shalt  }
0x55: {  	_ =	shalt  }
0x56: {  	_ =	shalt  }
0x57: {  	_ =	shalt  }
0x58: {  	_ =	shalt  }
0x59: {  	_ =	shalt  }
0x5a: {  	_ =	shalt  }
0x5b: {  	_ =	shalt  }
0x5c: {  	_ =	shalt  }
0x5d: {  	_ =	shalt  }
0x5e: {  	_ =	shalt  }
0x5f: {  	_ =	shalt  }
0x60: {  	_ =	shalt  }
0x61: {  	_ =	shalt  }
0x62: {  	_ =	shalt  }
0x63: {  	_ =	shalt  }
0x64: {  	_ =	shalt  }
0x65: {  	_ =	shalt  }
0x66: {  	_ =	shalt  }
0x67: {  	_ =	shalt  }
0x68: {  	_ =	shalt  }
0x69: {  	_ =	shalt  }
0x6a: {  	_ =	shalt  }
0x6b: {  	_ =	shalt  }
0x6c: {  	_ =	shalt  }
0x6d: {  	_ =	shalt  }
0x6e: {  	_ =	shalt  }
0x6f: {  	_ =	shalt  }
0x70: {  	_ =	shalt  }
0x71: {  	_ =	shalt  }
0x72: {  	_ =	shalt  }
0x73: {  	_ =	shalt  }
0x74: {  	_ =	shalt  }
0x75: {  	_ =	shalt  }
0x76: {  	_ =	shalt  }
0x77: {  	_ =	shalt  }
0x78: {  	_ =	shalt  }
0x79: {  	_ =	shalt  }
0x7a: {  	_ =	shalt  }
0x7b: {  	_ =	shalt  }
0x7c: {  	_ =	shalt  }
0x7d: {  	_ =	shalt  }
0x7e: {  	_ =	shalt  }
0x7f: {  	_ =	shalt  }
0x80: {  	_ =	shalt  }
0x81: {  	_ =	shalt  }
0x82: {  	_ =	shalt  }
0x83: {  	_ =	shalt  }
0x84: {  	_ =	shalt  }
0x85: {  	_ =	shalt  }
0x86: {  	_ =	shalt  }
0x87: {  	_ =	shalt  }
.Lfunc_end0:
.L_simem_size_0:
called_computation_lowered:
.L_overlay_start_0:
0x88: {  	s2 =	sld [smem:$0x3FD9]  }
0x89: {  	s3 =	sld [smem:$0x3FFE];
	_ =	sdelay $0x1  }
0x8a: {  	s1 =	srdreg.scid  }
0x8b: {  	s0 =	sand.u32 $0x1, s1  }
0x8c: {  	s17 =	sshll.u32 s0, $0xA;
	s2 =	sadd.s32 s3, s2  }
0x8d: {  	s2 =	sadd.s32 s2, s17  }
0x8e: {  	[smem:$0x3FC1] =	sst s2  }
0x8f: {  	_ = 	snop  }
0x90: {  	s2 =	sld [smem:$0x3FD0];
	(tm) =	ssettm $0x1  }
0x91: {  	s18 =	sld [smem:$0x3FFB];
	_ =	sdelay $0x3  }
0x92: {  	_ =	strace s18  }
0x93: {  	s3 =	sld [smem:$0x3FFC];
	_ =	sdelay $0x3  }
0x94: {  	_ =	strace s3  }
0x95: {  	s3 =	sld [smem:$0x3FFD];
	_ =	sdelay $0x3  }
0x96: {  	_ =	strace s3  }
0x97: {  	_ =	strace $0x8FFFFFFF  }
0x98: {  	s19 =	sld [smem:$0x3FDB];
	_ =	sdelay $0x1  }
0x99: {  	s4 =	simm.s32 $_scs_section_size  }
0x9a: {  	s5 =	simm.s32 $_size__tile_overlayer_lowered;
	s6 =	simm.s32 $_tile_overlayer_lowered  }
0x9b: {  	s22 =	simm.s32 $0x1BFF;
	s21 =	sshll.u32 s6, $0x1;
	s3 =	sadd.s32 s4, s19  }
0x9c: {  	s7 =	simm.s32 $0x0;
	s20 =	sshll.u32 s5, $0x1;
	s5 =	sadd.s32 s21, s3  }
0x9d: {  	[timem:s7], [sflag:s22] =	dma.local [hbm:s5], s20  }
0x9e: {  	_ =	swait.ge [sflag:s22], s20  }
0x9f: {  	s4 =	ssub.s32 $0x0, s20;
	[sflag:s22] =	ssyncset.done $0x0  }
0xa0: {  	[sflag:s22] =	ssyncadd.s32 s4;
	_ =	sdelay $0x1  }
0xa1: {  	s23 =	simm.s32 $0x1B8B  }
0xa2: {  	_ =	swait.ge [sflag:s23], $0x1  }
0xa3: {  	[sflag:s23] =	ssyncset.done $0x0  }
0xa4: {  	s25 =	simm.s32 $0x1B8E;
	s24 =	sld [smem:$0x3FFE];
	[sflag:s23] =	ssyncadd.s32 $0xFFFFFFFF  }
0xa5: {  	s26 =	simm.s32 $execute0_lowered;
	[smem:$0x3FD2] =	sst s25  }
0xa6: {  	s5 =	sshll.u32 s26, $0x1;
	_ =	strace $0x80000046;
	[dreg:$0x1] =	wrdreg $0xFFFFFFFF  }
0xa7: {  	s28 =	simm.s32 $_size_execute0_lowered;
	s3 =	sadd.s32 s3, s5;
	[dreg:$0x0] =	wrdreg $0x0  }
0xa8: {  	s5 =	sshll.u32 s28, $0x1;
	[dreg:$0x2] =	wrdreg s3  }
0xa9: {  	[dreg:$0x3] =	wrdreg s5  }
0xaa: {  	[dreg:$0x4] =	wrdreg $0xC0  }
0xab: {  	_ =	task [dreg:s7], $0x5FFFF  }
0xac: {  	[dreg:$0x1] =	wrdreg $0xFFFFFFFF  }
0xad: {  	[dreg:$0x0] =	wrdreg $0x60  }
0xae: {  	[dreg:$0x2] =	wrdreg s24  }
0xaf: {  	[dreg:$0x3] =	wrdreg s2  }
0xb0: {  	[dreg:$0x4] =	wrdreg $0x0  }
0xb1: {  	[dreg:$0x5] =	wrdreg $0x9E000  }
0xb2: {  	[dreg:$0x6] =	wrdreg $0x9  }
0xb3: {  	_ =	task.clear_ibuf [dreg:s7], $0x7FFFF;
	_ =	strace $0x90000046  }
0xb4: {  	s29 =	simm.s32 $0x9;
	_ =	strace $0x80000048  }
0xb5: {  	_ =	swait.ge [sflag:s29], $0x1  }
0xb6: {  	[sflag:s29] =	ssyncadd.s32 $0xFFFFFFFF  }
0xb7: {  	_ =	strace $0x90000048  }
0xb8: {  	_ =	sfence  }
0xb9: {  	s30 =	sld [smem:$0x0];
	_ =	sdelay $0x2  }
0xba: {  	s31 =	sshll.u32 s1, $0xD;
	s1 =	sshrl.u32 s1, $0x2  }
0xbb: {  	s3 =	sand.u32 $0x4000, s31;
	s1 =	sadd.s32 s1, s30  }
0xbc: {  	s0 =	sor.u32 s3, s0;
	s1 =	sshll.u32 s1, $0x11  }
0xbd: {  	s0 =	sor.u32 s1, s0  }
0xbe: {  	s0 =	sadd.s32 $0x8F2B, s0  }
0xbf: {  	[sflag:s0] =	ssyncadd.remote.s32 $0x1  }
0xc0: {  	_ =	sfence.sel $0xFFFF  }
0xc1: {  	[dreg:$0x0] =	wrdreg $0xFFFFFFFF;
	(pc) =	sbr.abs _section_cstart, $3  }
0xc2: {  	[dreg:$0x1] =	wrdreg $0xFFFFFFFF  }
0xc3: {  	_ =	task.clear_ibuf [dreg:s7], $0x2FFFF;
	_ =	strace $0x9FFFFFFF  }
0xc4: {  	(tm) =	ssettm $0x7FFFFFFF  }
0xc5: {  	_ =	shalt  }
tec
execute0_lowered:
.L_overlay_start_1:
0x0: {  	(tag) =	ssettag $0x1  }
0x1: {  	s0 =	rddreg [dreg:$0x0]  }
0x2: {  	s1 =	rddreg [dreg:$0x1]  }
0x3: {  	s2 =	rddreg [dreg:$0x2]  }
0x4: {  	s3 =	rddreg [dreg:$0x3]  }
0x5: {  	s5 =	simm.s32 $0x0;
	s4 =	srdreg.scid;
	s13 =	stileid.u32  }
0x6: {  	s29 =	simm.s32 $0x13D00;
	s30 =	simm.s32 $0x13E00;
	s6 =	smul.u32 $0x3E80, s13  }
0x7: {  	s31 =	simm.s32 $0x80;
	[smem:$0x7FF] =	sst s5;
	s12 =	smul.u32 $0x1F400, s13  }
0x8: {  	s4 =	sand.u32 $0x1, s4;
	s8 =	sadd.s32 $0x1200, s0;
	s23 =	smul.u32 $0x5000, s13  }
0x9: {  	s10 =	sadd.s32 $0x4F400, s0;
	s24 =	smul.u32 $0x7D000, s13;
	p0 =	sgt.u32 s13, $0x9  }
0xa: {  	_ =	strace $0x80000047;
	s7 =	sshll.u32 s4, $0x4;
	s9 =	smul.u32 $0x27100, s4  }
0xb: {  	[dreg:$0x5] =	wrdreg s10;
	s26 =	ssub.s32 $0x2, s4;
	s4 =	smul.u32 $0x50000, s4  }
0xc: {  	s10 =	simm.s32 $0x13C80;
	s7 =	sor.u32 s13, s7;
	s11 =	sshrl.u32 s26, $0x1  }
0xd: {  	s14 =	sadd.s32 s12, s2;
	s16 =	sadd.s32 s12, s3;
	s22 =	sshrl.u32 s12, $0x3  }
0xe: {  	s12 =	simm.s32 $0x5;
	s13 =	simm.s32 $0x13F80;
	s7 =	smul.u32 $0x5000, s7  }
0xf: {  	s9 =	sadd.s32 s6, s9;
	[dreg:$0x6] =	wrdreg s14;
	s6 =	sadd.s32 s8, s6  }
0x10: {  	[dreg:$0x9] =	wrdreg s16;
	s4 =	sadd.s32 s23, s4;
	s23 =	simm.s32 $0x2  }
0x11: {  	s14 =	simm.s32 $0x4;
	s0 =	sadd.s32 s9, s0;
	s9 =	ssub.s32 s26, s11  }
0x12: {  	[dreg:$0x7] =	wrdreg s6;
	s26 =	sshrl.u32 s24, $0x2;
	s25 =	sadd.s32 $0x53400, s0  }
0x13: {  	s28 =	sshrl.u32 s7, $0x3;
	s0 =	sadd.s32 $0xA1600, s0;
	[dreg:$0x10] =	wrdreg s25  }
0x14: {  	s4 =	sor.u32 $0x700, s4;
	s15 =	sadd.s32 s1, s28;
	[dreg:$0x12] =	wrdreg s0  }
0x15: {  	s4 =	sshrl.u32 s4, $0x3;
	s28 =	smax.u32 s9, $0x1;
	[dreg:$0x8] =	wrdreg s15  }
0x16: {  	s11 =	simm.s32 $0x13E80;
	s4 =	sadd.s32 s4, s1;
	[dreg:$0x13] =	wrdreg s28  }
0x17: {  	s0 =	sadd.s32 s26, s3;
	s17 =	sadd.s32 $0x20, s15;
	[dreg:$0x14] =	wrdreg s4  }
0x18: {  	s26 =	simm.s32 $0x13C00;
	s18 =	sadd.s32 $0x40, s15;
	[dreg:$0xa] =	wrdreg s17  }
0x19: {  	s25 =	simm.s32 $0x13D80;
	s19 =	sadd.s32 $0x60, s15;
	[dreg:$0xb] =	wrdreg s18  }
0x1a: {  	s20 =	sadd.s32 $0x80, s15;
	s21 =	sadd.s32 $0xA0, s15;
	[dreg:$0xc] =	wrdreg s19  }
0x1b: {  	s6 =	sadd.s32 $0xC0, s15;
	s0 =	sshrl.u32 @!p0 s0, $0x3;
	[dreg:$0xd] =	wrdreg s20  }
0x1c: {  	s4 =	simm.s32 $0x6;
	s15 =	simm.s32 $0x0;
	[dreg:$0xe] =	wrdreg s21  }
0x1d: {  	[dreg:$0xf] =	wrdreg s6;
	s17 =	sor.u32 $0x400, s7;
	s18 =	sor.u32 $0x500, s7  }
0x1e: {  	s19 =	sor.u32 $0x600, s7;
	s6 =	sadd.s32 s8, s22;
	[dreg:$0x15] =	wrdreg s0  }
0x1f: {  	s0 =	simm.s32 $0x14000;
	s7 =	simm.s32 $0x18000;
	s8 =	simm.s32 $0x1  }
0x20: {  	s20 =	simm.s32 $0x13F00;
	s21 =	simm.s32 $0x7;
	s6 =	sadd.s32 $0x27100, s6  }
0x21: {  	s22 =	simm.s32 $0x3;
	[dreg:$0x11] =	wrdreg s6;
	s6 =	simm.s32 $0x8  }
.LBB2_1:
0x22: {  	s9 =	stileid.u32  }
0x23: {  	[dreg:$0x16] =	wrdreg s15;
	s9 =	sshll.u32 @!p0 s9, $0x6  }
0x24: {  	s16 =	sor.u32 @!p0 $0x1C09, s9;
	s9 =	rddreg [dreg:$0x6]  }
0x25: {  	s15 =	sshrl.u32 @!p0 s9, $0x3;
	s9 =	rddreg [dreg:$0x7]  }
0x26: {  	[dreg:$0x18] =	wrdreg s15  }
0x27: {  	[spmem:s15], [sflag:s16] =	dma.local @!p0 [hbm:s9], $0x3E80  }
0x28: {  	s9 =	simm.s32 @!p0 $0x9  }
0x29: {  	_ =	swait.ge @!p0 [sflag:s9], $0x3E80;
	[dreg:$0x17] =	wrdreg s16  }
0x2a: {  	[sflag:s9] =	ssyncset.done @!p0 $0x0;
	s15 =	rddreg [dreg:$0x9]  }
0x2b: {  	[sflag:s9] =	ssyncadd.s32 @!p0 $0xFFFFC180;
	s28 =	sshrl.u32 @!p0 s15, $0x3;
	s15 =	rddreg [dreg:$0x5]  }
0x2c: {  	[spmem:s28], [sflag:s16] =	dma.local @!p0 [hbm:s15], $0x3E80  }
0x2d: {  	_ =	swait.ge @!p0 [sflag:s9], $0x3E80  }
0x2e: {  	[sflag:s9] =	ssyncset.done @!p0 $0x0  }
0x2f: {  	[sflag:s9] =	ssyncadd.s32 @!p0 $0xFFFFC180  }
0x30: {  	[bflag:$0x0] =	sbarrier.arrive $0xFFFF  }
0x31: {  	s16 =	simm.s32 $0x9;
	s15 =	rddreg [dreg:$0x8]  }
0x32: {  	[tilespmem:s26], [sflag:$0x9] =	stream.linear.gather [hbm4b:s15+s5], $0x100, $0x38;
	[tilespmem:$0x1C000] =	vst v63  }
0x33: {  	_ =	swait.ge [sflag:s16], $0x100  }
0x34: {  	[sflag:s16] =	ssyncset.done $0x0  }
0x35: {  	s24 =	rddreg [dreg:$0xa];
	[sflag:s16] =	ssyncadd.s32 $0xFFFFFF00  }
0x36: {  	[tilespmem:s29], [sflag:$0x6] =	stream.linear.gather [hbm4b:s24+s5], $0x100, $0x38;
	[tilespmem:$0x1C000] =	vst v63  }
0x37: {  	s15 =	rddreg [dreg:$0xb]  }
0x38: {  	[tilespmem:s30], [sflag:$0x7] =	stream.linear.gather [hbm4b:s15+s5], $0x100, $0x38;
	[tilespmem:$0x1C000] =	vst v63  }
0x39: {  	_ = 	snop  }
0x3a: {  	[tilespmem:s0], [sflag:$0x1] =	stream.indirect.gather [spmem:s2], $0x40, s26, s31, $0xb8;
	[tilespmem:$0x1C000] =	vst v63  }
0x3b: {  	_ =	swait.ge [sflag:s4], $0x100  }
0x3c: {  	[sflag:s4] =	ssyncset.done $0x0  }
0x3d: {  	[sflag:s4] =	ssyncadd.s32 $0xFFFFFF00  }
0x3e: {  	[tilespmem:s7], [sflag:$0x2] =	stream.indirect.gather [spmem:s2], $0x40, s29, s31, $0xb8;
	[tilespmem:$0x1C000] =	vst v63  }
0x3f: {  	_ =	swait.ge [sflag:s8], $0x2000  }
0x40: {  	[sflag:s8] =	ssyncset.done $0x0  }
0x41: {  	[sflag:s8] =	ssyncadd.s32 $0xFFFFE000  }
0x42: {  	[spmem:s3] =	stream.indirect.scatter.add.f32 [tilespmem:s0], [sflag:$0x3], $0x40, s10, s31, $0xb8;
	[tilespmem:$0x1C000] =	vst v63  }
0x43: {  	s16 =	rddreg [dreg:$0xc]  }
0x44: {  	[tilespmem:s20], [sflag:$0x8] =	stream.linear.gather [hbm4b:s16+s5], $0x100, $0x38;
	[tilespmem:$0x1C000] =	vst v63  }
0x45: {  	_ =	swait.ge [sflag:s21], $0x100  }
0x46: {  	[sflag:s21] =	ssyncset.done $0x0  }
0x47: {  	[sflag:s21] =	ssyncadd.s32 $0xFFFFFF00  }
0x48: {  	_ =	swait.ge [sflag:s22], $0x2000  }
0x49: {  	[sflag:s22] =	ssyncset.done $0x0  }
0x4a: {  	[sflag:s22] =	ssyncadd.s32 $0xFFFFE000  }
0x4b: {  	[tilespmem:s0], [sflag:$0x1] =	stream.indirect.gather [spmem:s2], $0x40, s30, s31, $0xb8;
	[tilespmem:$0x1C000] =	vst v63  }
0x4c: {  	_ =	swait.ge [sflag:s23], $0x2000  }
0x4d: {  	[sflag:s23] =	ssyncset.done $0x0  }
0x4e: {  	[sflag:s23] =	ssyncadd.s32 $0xFFFFE000  }
0x4f: {  	[spmem:s3] =	stream.indirect.scatter.add.f32 [tilespmem:s7], [sflag:$0x4], $0x40, s25, s31, $0xb8;
	[tilespmem:$0x1C000] =	vst v63  }
0x50: {  	s24 =	rddreg [dreg:$0xd]  }
0x51: {  	[tilespmem:s26], [sflag:$0x5] =	stream.linear.gather [hbm4b:s24+s5], $0x100, $0x38;
	[tilespmem:$0x1C000] =	vst v63  }
0x52: {  	_ =	swait.ge [sflag:s6], $0x100  }
0x53: {  	[sflag:s6] =	ssyncset.done $0x0  }
0x54: {  	[sflag:s6] =	ssyncadd.s32 $0xFFFFFF00  }
0x55: {  	_ =	swait.ge [sflag:s14], $0x2000  }
0x56: {  	[sflag:s14] =	ssyncset.done $0x0  }
0x57: {  	[sflag:s14] =	ssyncadd.s32 $0xFFFFE000  }
0x58: {  	[tilespmem:s7], [sflag:$0x2] =	stream.indirect.gather [spmem:s2], $0x40, s20, s31, $0xb8;
	[tilespmem:$0x1C000] =	vst v63  }
0x59: {  	_ =	swait.ge [sflag:s8], $0x2000  }
0x5a: {  	[sflag:s8] =	ssyncset.done $0x0  }
0x5b: {  	[sflag:s8] =	ssyncadd.s32 $0xFFFFE000  }
0x5c: {  	[spmem:s3] =	stream.indirect.scatter.add.f32 [tilespmem:s0], [sflag:$0x3], $0x40, s11, s31, $0xb8;
	[tilespmem:$0x1C000] =	vst v63  }
0x5d: {  	s15 =	rddreg [dreg:$0xe]  }
0x5e: {  	[tilespmem:s29], [sflag:$0x6] =	stream.linear.gather [hbm4b:s15+s5], $0x100, $0x38;
	[tilespmem:$0x1C000] =	vst v63  }
0x5f: {  	_ =	swait.ge [sflag:s12], $0x100  }
0x60: {  	[sflag:s12] =	ssyncset.done $0x0  }
0x61: {  	[sflag:s12] =	ssyncadd.s32 $0xFFFFFF00  }
0x62: {  	_ =	swait.ge [sflag:s22], $0x2000  }
0x63: {  	[sflag:s22] =	ssyncset.done $0x0  }
0x64: {  	[sflag:s22] =	ssyncadd.s32 $0xFFFFE000  }
0x65: {  	[tilespmem:s0], [sflag:$0x1] =	stream.indirect.gather [spmem:s2], $0x40, s26, s31, $0xb8;
	[tilespmem:$0x1C000] =	vst v63  }
0x66: {  	_ =	swait.ge [sflag:s23], $0x2000  }
0x67: {  	[sflag:s23] =	ssyncset.done $0x0  }
0x68: {  	[sflag:s23] =	ssyncadd.s32 $0xFFFFE000  }
0x69: {  	[spmem:s3] =	stream.indirect.scatter.add.f32 [tilespmem:s7], [sflag:$0x4], $0x40, s13, s31, $0xb8;
	[tilespmem:$0x1C000] =	vst v63  }
0x6a: {  	s16 =	rddreg [dreg:$0xf]  }
0x6b: {  	[tilespmem:s30], [sflag:$0x7] =	stream.linear.gather [hbm4b:s16+s5], $0x100, $0x38;
	[tilespmem:$0x1C000] =	vst v63  }
0x6c: {  	_ =	swait.ge [sflag:s4], $0x100  }
0x6d: {  	[sflag:s4] =	ssyncset.done $0x0  }
0x6e: {  	[sflag:s4] =	ssyncadd.s32 $0xFFFFFF00  }
0x6f: {  	_ =	swait.ge [sflag:s14], $0x2000  }
0x70: {  	[sflag:s14] =	ssyncset.done $0x0  }
0x71: {  	[sflag:s14] =	ssyncadd.s32 $0xFFFFE000  }
0x72: {  	[tilespmem:s7], [sflag:$0x2] =	stream.indirect.gather [spmem:s2], $0x40, s29, s31, $0xb8;
	[tilespmem:$0x1C000] =	vst v63  }
0x73: {  	_ =	swait.ge [sflag:s8], $0x2000  }
0x74: {  	[sflag:s8] =	ssyncset.done $0x0  }
0x75: {  	[sflag:s8] =	ssyncadd.s32 $0xFFFFE000  }
0x76: {  	[spmem:s3] =	stream.indirect.scatter.add.f32 [tilespmem:s0], [sflag:$0x3], $0x40, s10, s31, $0xb8;
	[tilespmem:$0x1C000] =	vst v63  }
0x77: {  	s16 =	rddreg [dreg:$0x14]  }
0x78: {  	[tilespmem:s20], [sflag:$0x8] =	stream.linear.gather [hbm4b:s16+s5], $0x100, $0x38;
	[tilespmem:$0x1C000] =	vst v63  }
0x79: {  	_ =	swait.ge [sflag:s21], $0x100  }
0x7a: {  	[sflag:s21] =	ssyncset.done $0x0  }
0x7b: {  	[sflag:s21] =	ssyncadd.s32 $0xFFFFFF00  }
0x7c: {  	_ =	swait.ge [sflag:s22], $0x2000  }
0x7d: {  	[sflag:s22] =	ssyncset.done $0x0  }
0x7e: {  	s24 =	smin.u32 s14, $0x4B;
	[sflag:s22] =	ssyncadd.s32 $0xFFFFE000  }
0x7f: {  	[tilespmem:s0], [sflag:$0x1] =	stream.indirect.gather [spmem:s2], $0x40, s30, s31, $0xb8;
	[tilespmem:$0x1C000] =	vst v63  }
0x80: {  	s9 =	sshll.u32 s24, $0x8;
	_ =	swait.ge [sflag:s23], $0x2000  }
0x81: {  	s9 =	sadd.s32 s9, s17;
	[sflag:s23] =	ssyncset.done $0x0  }
0x82: {  	s9 =	sshrl.u32 s9, $0x3;
	[sflag:s23] =	ssyncadd.s32 $0xFFFFE000  }
0x83: {  	[spmem:s3] =	stream.indirect.scatter.add.f32 [tilespmem:s7], [sflag:$0x4], $0x40, s25, s31, $0xb8;
	[tilespmem:$0x1C000] =	vst v63  }
0x84: {  	s9 =	sadd.s32 s1, s9  }
0x85: {  	[tilespmem:s26], [sflag:$0x5] =	stream.linear.gather [hbm4b:s9+s5], $0x100, $0x38;
	[tilespmem:$0x1C000] =	vst v63  }
0x86: {  	_ =	swait.ge [sflag:s6], $0x100  }
0x87: {  	[sflag:s6] =	ssyncset.done $0x0  }
0x88: {  	[sflag:s6] =	ssyncadd.s32 $0xFFFFFF00  }
0x89: {  	_ =	swait.ge [sflag:s14], $0x2000  }
0x8a: {  	[sflag:s14] =	ssyncset.done $0x0  }
0x8b: {  	s15 =	smin.u32 s14, $0x4A;
	[sflag:s14] =	ssyncadd.s32 $0xFFFFE000  }
0x8c: {  	[tilespmem:s7], [sflag:$0x2] =	stream.indirect.gather [spmem:s2], $0x40, s20, s31, $0xb8;
	[tilespmem:$0x1C000] =	vst v63  }
0x8d: {  	s9 =	sshll.u32 s15, $0x8;
	_ =	swait.ge [sflag:s8], $0x2000  }
0x8e: {  	s9 =	sadd.s32 s9, s18;
	[sflag:s8] =	ssyncset.done $0x0  }
0x8f: {  	s9 =	sshrl.u32 s9, $0x3;
	[sflag:s8] =	ssyncadd.s32 $0xFFFFE000  }
0x90: {  	[spmem:s3] =	stream.indirect.scatter.add.f32 [tilespmem:s0], [sflag:$0x3], $0x40, s11, s31, $0xb8;
	[tilespmem:$0x1C000] =	vst v63  }
0x91: {  	s9 =	sadd.s32 s1, s9  }
0x92: {  	[tilespmem:s29], [sflag:$0x6] =	stream.linear.gather [hbm4b:s9+s5], $0x100, $0x38;
	[tilespmem:$0x1C000] =	vst v63  }
0x93: {  	_ =	swait.ge [sflag:s12], $0x100  }
0x94: {  	[sflag:s12] =	ssyncset.done $0x0  }
0x95: {  	[sflag:s12] =	ssyncadd.s32 $0xFFFFFF00  }
0x96: {  	_ =	swait.ge [sflag:s22], $0x2000  }
0x97: {  	[sflag:s22] =	ssyncset.done $0x0  }
0x98: {  	s24 =	smin.u32 s14, $0x49;
	[sflag:s22] =	ssyncadd.s32 $0xFFFFE000  }
0x99: {  	[tilespmem:s0], [sflag:$0x1] =	stream.indirect.gather [spmem:s2], $0x40, s26, s31, $0xb8;
	[tilespmem:$0x1C000] =	vst v63  }
0x9a: {  	s9 =	sshll.u32 s24, $0x8;
	_ =	swait.ge [sflag:s23], $0x2000  }
0x9b: {  	s24 =	simm.s32 $0x8;
	s9 =	sadd.s32 s9, s19;
	[sflag:s23] =	ssyncset.done $0x0  }
0x9c: {  	s15 =	sshrl.u32 s9, $0x3;
	s9 =	smov.u32 s16;
	[sflag:s23] =	ssyncadd.s32 $0xFFFFE000  }
0x9d: {  	[spmem:s3] =	stream.indirect.scatter.add.f32 [tilespmem:s7], [sflag:$0x4], $0x40, s13, s31, $0xb8;
	[tilespmem:$0x1C000] =	vst v63  }
.LBB2_2:
0x9e: {  	p1 =	sne.s32 s24, $0x4C;
	s15 =	sadd.s32 s1, s15;
	s9 =	sadd.s32 $0x80, s9  }
0x9f: {  	[tilespmem:s30], [sflag:$0x7] =	stream.linear.gather [hbm4b:s15+s5], $0x100, $0x38;
	[tilespmem:$0x1C000] =	vst v63  }
0xa0: {  	s15 =	smov.u32 s24;
	s24 =	sadd.s32 $0x4, s24;
	_ =	swait.ge [sflag:s4], $0x100  }
0xa1: {  	[sflag:s4] =	ssyncset.done $0x0  }
0xa2: {  	[sflag:s4] =	ssyncadd.s32 $0xFFFFFF00  }
0xa3: {  	_ =	swait.ge [sflag:s14], $0x2000  }
0xa4: {  	[sflag:s14] =	ssyncset.done $0x0  }
0xa5: {  	[sflag:s14] =	ssyncadd.s32 $0xFFFFE000  }
0xa6: {  	[tilespmem:s7], [sflag:$0x2] =	stream.indirect.gather [spmem:s2], $0x40, s29, s31, $0xb8;
	[tilespmem:$0x1C000] =	vst v63  }
0xa7: {  	_ =	swait.ge [sflag:s8], $0x2000  }
0xa8: {  	[sflag:s8] =	ssyncset.done $0x0  }
0xa9: {  	[sflag:s8] =	ssyncadd.s32 $0xFFFFE000  }
0xaa: {  	[spmem:s3] =	stream.indirect.scatter.add.f32 [tilespmem:s0], [sflag:$0x3], $0x40, s10, s31, $0xb8;
	[tilespmem:$0x1C000] =	vst v63  }
0xab: {  	_ = 	snop  }
0xac: {  	[tilespmem:s20], [sflag:$0x8] =	stream.linear.gather [hbm4b:s9+s5], $0x100, $0x38;
	[tilespmem:$0x1C000] =	vst v63  }
0xad: {  	_ =	swait.ge [sflag:s21], $0x100  }
0xae: {  	[sflag:s21] =	ssyncset.done $0x0  }
0xaf: {  	[sflag:s21] =	ssyncadd.s32 $0xFFFFFF00  }
0xb0: {  	_ =	swait.ge [sflag:s22], $0x2000  }
0xb1: {  	[sflag:s22] =	ssyncset.done $0x0  }
0xb2: {  	[sflag:s22] =	ssyncadd.s32 $0xFFFFE000  }
0xb3: {  	[tilespmem:s0], [sflag:$0x1] =	stream.indirect.gather [spmem:s2], $0x40, s30, s31, $0xb8;
	[tilespmem:$0x1C000] =	vst v63  }
0xb4: {  	s16 =	smin.u32 s15, $0x4B;
	_ =	swait.ge [sflag:s23], $0x2000  }
0xb5: {  	s16 =	sshll.u32 s16, $0x8;
	[sflag:s23] =	ssyncset.done $0x0  }
0xb6: {  	s16 =	sadd.s32 s16, s17;
	[sflag:s23] =	ssyncadd.s32 $0xFFFFE000  }
0xb7: {  	[spmem:s3] =	stream.indirect.scatter.add.f32 [tilespmem:s7], [sflag:$0x4], $0x40, s25, s31, $0xb8;
	[tilespmem:$0x1C000] =	vst v63  }
0xb8: {  	s16 =	sshrl.u32 s16, $0x3  }
0xb9: {  	s16 =	sadd.s32 s1, s16  }
0xba: {  	[tilespmem:s26], [sflag:$0x5] =	stream.linear.gather [hbm4b:s16+s5], $0x100, $0x38;
	[tilespmem:$0x1C000] =	vst v63  }
0xbb: {  	_ =	swait.ge [sflag:s6], $0x100  }
0xbc: {  	[sflag:s6] =	ssyncset.done $0x0  }
0xbd: {  	[sflag:s6] =	ssyncadd.s32 $0xFFFFFF00  }
0xbe: {  	_ =	swait.ge [sflag:s14], $0x2000  }
0xbf: {  	[sflag:s14] =	ssyncset.done $0x0  }
0xc0: {  	s16 =	smin.u32 s15, $0x4A;
	[sflag:s14] =	ssyncadd.s32 $0xFFFFE000  }
0xc1: {  	[tilespmem:s7], [sflag:$0x2] =	stream.indirect.gather [spmem:s2], $0x40, s20, s31, $0xb8;
	[tilespmem:$0x1C000] =	vst v63  }
0xc2: {  	s16 =	sshll.u32 s16, $0x8;
	_ =	swait.ge [sflag:s8], $0x2000  }
0xc3: {  	s16 =	sadd.s32 s16, s18;
	[sflag:s8] =	ssyncset.done $0x0  }
0xc4: {  	s16 =	sshrl.u32 s16, $0x3;
	[sflag:s8] =	ssyncadd.s32 $0xFFFFE000  }
0xc5: {  	[spmem:s3] =	stream.indirect.scatter.add.f32 [tilespmem:s0], [sflag:$0x3], $0x40, s11, s31, $0xb8;
	[tilespmem:$0x1C000] =	vst v63  }
0xc6: {  	s16 =	sadd.s32 s1, s16  }
0xc7: {  	[tilespmem:s29], [sflag:$0x6] =	stream.linear.gather [hbm4b:s16+s5], $0x100, $0x38;
	[tilespmem:$0x1C000] =	vst v63  }
0xc8: {  	_ =	swait.ge [sflag:s12], $0x100  }
0xc9: {  	[sflag:s12] =	ssyncset.done $0x0  }
0xca: {  	[sflag:s12] =	ssyncadd.s32 $0xFFFFFF00  }
0xcb: {  	_ =	swait.ge [sflag:s22], $0x2000  }
0xcc: {  	[sflag:s22] =	ssyncset.done $0x0  }
0xcd: {  	s15 =	smin.u32 s15, $0x49;
	[sflag:s22] =	ssyncadd.s32 $0xFFFFE000  }
0xce: {  	[tilespmem:s0], [sflag:$0x1] =	stream.indirect.gather [spmem:s2], $0x40, s26, s31, $0xb8;
	[tilespmem:$0x1C000] =	vst v63  }
.Ltmp0:
0xcf: {  	_ = 	snop;
	(pc) =	sbr.rel @p1 .LBB2_2-.Ltmp0, $4  }
0xd0: {  	s15 =	sshll.u32 s15, $0x8;
	_ =	swait.ge [sflag:s23], $0x2000  }
0xd1: {  	s15 =	sadd.s32 s15, s19;
	[sflag:s23] =	ssyncset.done $0x0  }
0xd2: {  	s15 =	sshrl.u32 s15, $0x3;
	[sflag:s23] =	ssyncadd.s32 $0xFFFFE000  }
0xd3: {  	[spmem:s3] =	stream.indirect.scatter.add.f32 [tilespmem:s7], [sflag:$0x4], $0x40, s13, s31, $0xb8;
	[tilespmem:$0x1C000] =	vst v63  }
0xd4: {  	s9 =	sadd.s32 s1, s15  }
0xd5: {  	[tilespmem:s30], [sflag:$0x7] =	stream.linear.gather [hbm4b:s9+s5], $0x100, $0x38;
	[tilespmem:$0x1C000] =	vst v63  }
0xd6: {  	_ =	swait.ge [sflag:s8], $0x2000  }
0xd7: {  	[sflag:s8] =	ssyncset.done $0x0  }
0xd8: {  	[sflag:s8] =	ssyncadd.s32 $0xFFFFE000  }
0xd9: {  	_ =	swait.ge [sflag:s14], $0x2000  }
0xda: {  	[sflag:s14] =	ssyncset.done $0x0  }
0xdb: {  	[sflag:s14] =	ssyncadd.s32 $0xFFFFE000  }
0xdc: {  	_ =	swait.ge [sflag:s4], $0x100  }
0xdd: {  	[sflag:s4] =	ssyncset.done $0x0  }
0xde: {  	[sflag:s4] =	ssyncadd.s32 $0xFFFFFF00  }
0xdf: {  	_ =	swait.ge [sflag:s21], $0x100  }
0xe0: {  	[sflag:s21] =	ssyncset.done $0x0  }
0xe1: {  	[sflag:s21] =	ssyncadd.s32 $0xFFFFFF00  }
0xe2: {  	[bflag:$0x0] =	sbarrier.arrive $0xFFFF  }
0xe3: {  	[bflag:$0x0] =	sbarrier.arrive @p0 $0xFFFF  }
0xe4: {  	s9 =	rddreg [dreg:$0x10]  }
0xe5: {  	s16 =	rddreg [dreg:$0x17]  }
0xe6: {  	[hbm:s9], [sflag:s16] =	dma.local @!p0 [spmem:s28], $0x3E80  }
0xe7: {  	s9 =	simm.s32 @!p0 $0x9  }
0xe8: {  	_ =	swait.ge @!p0 [sflag:s9], $0x3E80  }
0xe9: {  	[sflag:s9] =	ssyncset.done @!p0 $0x0  }
0xea: {  	[sflag:s9] =	ssyncadd.s32 @!p0 $0xFFFFC180  }
0xeb: {  	[bflag:$0x0] =	sbarrier.arrive @!p0 $0xFFFF  }
0xec: {  	s15 =	rddreg [dreg:$0x11]  }
0xed: {  	s24 =	rddreg [dreg:$0x18]  }
0xee: {  	[spmem:s24], [sflag:s16] =	dma.local @!p0 [hbm:s15], $0x3E80  }
0xef: {  	_ =	swait.ge @!p0 [sflag:s9], $0x3E80  }
0xf0: {  	[sflag:s9] =	ssyncset.done @!p0 $0x0  }
0xf1: {  	s15 =	rddreg [dreg:$0x5];
	[sflag:s9] =	ssyncadd.s32 @!p0 $0xFFFFC180  }
0xf2: {  	[spmem:s28], [sflag:s16] =	dma.local @!p0 [hbm:s15], $0x3E80  }
0xf3: {  	_ =	swait.ge @!p0 [sflag:s9], $0x3E80  }
0xf4: {  	[sflag:s9] =	ssyncset.done @!p0 $0x0  }
0xf5: {  	[sflag:s9] =	ssyncadd.s32 @!p0 $0xFFFFC180  }
0xf6: {  	[bflag:$0x0] =	sbarrier.arrive $0xFFFF  }
0xf7: {  	s15 =	simm.s32 $0x9;
	s28 =	rddreg [dreg:$0x8]  }
0xf8: {  	[tilespmem:s26], [sflag:$0x9] =	stream.linear.gather [hbm4b:s28+s5], $0x100, $0x38;
	[tilespmem:$0x1C000] =	vst v63  }
0xf9: {  	_ =	swait.ge [sflag:s15], $0x100  }
0xfa: {  	[sflag:s15] =	ssyncset.done $0x0  }
0xfb: {  	s16 =	rddreg [dreg:$0xa];
	[sflag:s15] =	ssyncadd.s32 $0xFFFFFF00  }
0xfc: {  	[tilespmem:s29], [sflag:$0x6] =	stream.linear.gather [hbm4b:s16+s5], $0x100, $0x38;
	[tilespmem:$0x1C000] =	vst v63  }
0xfd: {  	s24 =	rddreg [dreg:$0xb]  }
0xfe: {  	[tilespmem:s30], [sflag:$0x7] =	stream.linear.gather [hbm4b:s24+s5], $0x100, $0x38;
	[tilespmem:$0x1C000] =	vst v63  }
0xff: {  	_ = 	snop  }
0x100: {  	[tilespmem:s0], [sflag:$0x1] =	stream.indirect.gather [spmem:s2], $0x40, s26, s31, $0xb8;
	[tilespmem:$0x1C000] =	vst v63  }
0x101: {  	_ =	swait.ge [sflag:s4], $0x100  }
0x102: {  	[sflag:s4] =	ssyncset.done $0x0  }
0x103: {  	[sflag:s4] =	ssyncadd.s32 $0xFFFFFF00  }
0x104: {  	[tilespmem:s7], [sflag:$0x2] =	stream.indirect.gather [spmem:s2], $0x40, s29, s31, $0xb8;
	[tilespmem:$0x1C000] =	vst v63  }
0x105: {  	_ =	swait.ge [sflag:s8], $0x2000  }
0x106: {  	[sflag:s8] =	ssyncset.done $0x0  }
0x107: {  	[sflag:s8] =	ssyncadd.s32 $0xFFFFE000  }
0x108: {  	[spmem:s3] =	stream.indirect.scatter.add.f32 [tilespmem:s0], [sflag:$0x3], $0x40, s10, s31, $0xb8;
	[tilespmem:$0x1C000] =	vst v63  }
0x109: {  	s28 =	rddreg [dreg:$0xc]  }
0x10a: {  	[tilespmem:s20], [sflag:$0x8] =	stream.linear.gather [hbm4b:s28+s5], $0x100, $0x38;
	[tilespmem:$0x1C000] =	vst v63  }
0x10b: {  	_ =	swait.ge [sflag:s21], $0x100  }
0x10c: {  	[sflag:s21] =	ssyncset.done $0x0  }
0x10d: {  	[sflag:s21] =	ssyncadd.s32 $0xFFFFFF00  }
0x10e: {  	_ =	swait.ge [sflag:s22], $0x2000  }
0x10f: {  	[sflag:s22] =	ssyncset.done $0x0  }
0x110: {  	[sflag:s22] =	ssyncadd.s32 $0xFFFFE000  }
0x111: {  	[tilespmem:s0], [sflag:$0x1] =	stream.indirect.gather [spmem:s2], $0x40, s30, s31, $0xb8;
	[tilespmem:$0x1C000] =	vst v63  }
0x112: {  	_ =	swait.ge [sflag:s23], $0x2000  }
0x113: {  	[sflag:s23] =	ssyncset.done $0x0  }
0x114: {  	[sflag:s23] =	ssyncadd.s32 $0xFFFFE000  }
0x115: {  	[spmem:s3] =	stream.indirect.scatter.add.f32 [tilespmem:s7], [sflag:$0x4], $0x40, s25, s31, $0xb8;
	[tilespmem:$0x1C000] =	vst v63  }
0x116: {  	s15 =	rddreg [dreg:$0xd]  }
0x117: {  	[tilespmem:s26], [sflag:$0x5] =	stream.linear.gather [hbm4b:s15+s5], $0x100, $0x38;
	[tilespmem:$0x1C000] =	vst v63  }
0x118: {  	_ =	swait.ge [sflag:s6], $0x100  }
0x119: {  	[sflag:s6] =	ssyncset.done $0x0  }
0x11a: {  	s9 =	simm.s32 $0x4;
	[sflag:s6] =	ssyncadd.s32 $0xFFFFFF00  }
0x11b: {  	_ =	swait.ge [sflag:s9], $0x2000  }
0x11c: {  	[sflag:s9] =	ssyncset.done $0x0  }
0x11d: {  	[sflag:s9] =	ssyncadd.s32 $0xFFFFE000  }
0x11e: {  	[tilespmem:s7], [sflag:$0x2] =	stream.indirect.gather [spmem:s2], $0x40, s20, s31, $0xb8;
	[tilespmem:$0x1C000] =	vst v63  }
0x11f: {  	_ =	swait.ge [sflag:s8], $0x2000  }
0x120: {  	[sflag:s8] =	ssyncset.done $0x0  }
0x121: {  	[sflag:s8] =	ssyncadd.s32 $0xFFFFE000  }
0x122: {  	[spmem:s3] =	stream.indirect.scatter.add.f32 [tilespmem:s0], [sflag:$0x3], $0x40, s11, s31, $0xb8;
	[tilespmem:$0x1C000] =	vst v63  }
0x123: {  	s16 =	rddreg [dreg:$0xe]  }
0x124: {  	[tilespmem:s29], [sflag:$0x6] =	stream.linear.gather [hbm4b:s16+s5], $0x100, $0x38;
	[tilespmem:$0x1C000] =	vst v63  }
0x125: {  	_ =	swait.ge [sflag:s12], $0x100  }
0x126: {  	[sflag:s12] =	ssyncset.done $0x0  }
0x127: {  	[sflag:s12] =	ssyncadd.s32 $0xFFFFFF00  }
0x128: {  	_ =	swait.ge [sflag:s22], $0x2000  }
0x129: {  	[sflag:s22] =	ssyncset.done $0x0  }
0x12a: {  	[sflag:s22] =	ssyncadd.s32 $0xFFFFE000  }
0x12b: {  	[tilespmem:s0], [sflag:$0x1] =	stream.indirect.gather [spmem:s2], $0x40, s26, s31, $0xb8;
	[tilespmem:$0x1C000] =	vst v63  }
0x12c: {  	_ =	swait.ge [sflag:s23], $0x2000  }
0x12d: {  	[sflag:s23] =	ssyncset.done $0x0  }
0x12e: {  	[sflag:s23] =	ssyncadd.s32 $0xFFFFE000  }
0x12f: {  	[spmem:s3] =	stream.indirect.scatter.add.f32 [tilespmem:s7], [sflag:$0x4], $0x40, s13, s31, $0xb8;
	[tilespmem:$0x1C000] =	vst v63  }
0x130: {  	s24 =	rddreg [dreg:$0xf]  }
0x131: {  	[tilespmem:s30], [sflag:$0x7] =	stream.linear.gather [hbm4b:s24+s5], $0x100, $0x38;
	[tilespmem:$0x1C000] =	vst v63  }
0x132: {  	_ =	swait.ge [sflag:s4], $0x100  }
0x133: {  	[sflag:s4] =	ssyncset.done $0x0  }
0x134: {  	[sflag:s4] =	ssyncadd.s32 $0xFFFFFF00  }
0x135: {  	_ =	swait.ge [sflag:s14], $0x2000  }
0x136: {  	[sflag:s14] =	ssyncset.done $0x0  }
0x137: {  	[sflag:s14] =	ssyncadd.s32 $0xFFFFE000  }
0x138: {  	[tilespmem:s7], [sflag:$0x2] =	stream.indirect.gather [spmem:s2], $0x40, s29, s31, $0xb8;
	[tilespmem:$0x1C000] =	vst v63  }
0x139: {  	_ =	swait.ge [sflag:s8], $0x2000  }
0x13a: {  	[sflag:s8] =	ssyncset.done $0x0  }
0x13b: {  	[sflag:s8] =	ssyncadd.s32 $0xFFFFE000  }
0x13c: {  	[spmem:s3] =	stream.indirect.scatter.add.f32 [tilespmem:s0], [sflag:$0x3], $0x40, s10, s31, $0xb8;
	[tilespmem:$0x1C000] =	vst v63  }
0x13d: {  	s24 =	rddreg [dreg:$0x14]  }
0x13e: {  	[tilespmem:s20], [sflag:$0x8] =	stream.linear.gather [hbm4b:s24+s5], $0x100, $0x38;
	[tilespmem:$0x1C000] =	vst v63  }
0x13f: {  	_ =	swait.ge [sflag:s21], $0x100  }
0x140: {  	[sflag:s21] =	ssyncset.done $0x0  }
0x141: {  	[sflag:s21] =	ssyncadd.s32 $0xFFFFFF00  }
0x142: {  	_ =	swait.ge [sflag:s22], $0x2000  }
0x143: {  	[sflag:s22] =	ssyncset.done $0x0  }
0x144: {  	s28 =	smin.u32 s9, $0x4B;
	[sflag:s22] =	ssyncadd.s32 $0xFFFFE000  }
0x145: {  	[tilespmem:s0], [sflag:$0x1] =	stream.indirect.gather [spmem:s2], $0x40, s30, s31, $0xb8;
	[tilespmem:$0x1C000] =	vst v63  }
0x146: {  	s15 =	sshll.u32 s28, $0x8;
	_ =	swait.ge [sflag:s23], $0x2000  }
0x147: {  	s15 =	sadd.s32 s15, s17;
	[sflag:s23] =	ssyncset.done $0x0  }
0x148: {  	s15 =	sshrl.u32 s15, $0x3;
	[sflag:s23] =	ssyncadd.s32 $0xFFFFE000  }
0x149: {  	[spmem:s3] =	stream.indirect.scatter.add.f32 [tilespmem:s7], [sflag:$0x4], $0x40, s25, s31, $0xb8;
	[tilespmem:$0x1C000] =	vst v63  }
0x14a: {  	s15 =	sadd.s32 s1, s15  }
0x14b: {  	[tilespmem:s26], [sflag:$0x5] =	stream.linear.gather [hbm4b:s15+s5], $0x100, $0x38;
	[tilespmem:$0x1C000] =	vst v63  }
0x14c: {  	_ =	swait.ge [sflag:s6], $0x100  }
0x14d: {  	[sflag:s6] =	ssyncset.done $0x0  }
0x14e: {  	[sflag:s6] =	ssyncadd.s32 $0xFFFFFF00  }
0x14f: {  	_ =	swait.ge [sflag:s14], $0x2000  }
0x150: {  	[sflag:s14] =	ssyncset.done $0x0  }
0x151: {  	s16 =	smin.u32 s9, $0x4A;
	[sflag:s14] =	ssyncadd.s32 $0xFFFFE000  }
0x152: {  	[tilespmem:s7], [sflag:$0x2] =	stream.indirect.gather [spmem:s2], $0x40, s20, s31, $0xb8;
	[tilespmem:$0x1C000] =	vst v63  }
0x153: {  	s15 =	sshll.u32 s16, $0x8;
	_ =	swait.ge [sflag:s8], $0x2000  }
0x154: {  	s15 =	sadd.s32 s15, s18;
	[sflag:s8] =	ssyncset.done $0x0  }
0x155: {  	s15 =	sshrl.u32 s15, $0x3;
	[sflag:s8] =	ssyncadd.s32 $0xFFFFE000  }
0x156: {  	[spmem:s3] =	stream.indirect.scatter.add.f32 [tilespmem:s0], [sflag:$0x3], $0x40, s11, s31, $0xb8;
	[tilespmem:$0x1C000] =	vst v63  }
0x157: {  	s15 =	sadd.s32 s1, s15  }
0x158: {  	[tilespmem:s29], [sflag:$0x6] =	stream.linear.gather [hbm4b:s15+s5], $0x100, $0x38;
	[tilespmem:$0x1C000] =	vst v63  }
0x159: {  	_ =	swait.ge [sflag:s12], $0x100  }
0x15a: {  	[sflag:s12] =	ssyncset.done $0x0  }
0x15b: {  	[sflag:s12] =	ssyncadd.s32 $0xFFFFFF00  }
0x15c: {  	_ =	swait.ge [sflag:s22], $0x2000  }
0x15d: {  	[sflag:s22] =	ssyncset.done $0x0  }
0x15e: {  	s9 =	smin.u32 s9, $0x49;
	[sflag:s22] =	ssyncadd.s32 $0xFFFFE000  }
0x15f: {  	[tilespmem:s0], [sflag:$0x1] =	stream.indirect.gather [spmem:s2], $0x40, s26, s31, $0xb8;
	[tilespmem:$0x1C000] =	vst v63  }
0x160: {  	s9 =	sshll.u32 s9, $0x8;
	_ =	swait.ge [sflag:s23], $0x2000  }
0x161: {  	s28 =	sadd.s32 s9, s19;
	[sflag:s23] =	ssyncset.done $0x0  }
0x162: {  	s9 =	simm.s32 $0x8;
	s15 =	sshrl.u32 s28, $0x3;
	[sflag:s23] =	ssyncadd.s32 $0xFFFFE000  }
0x163: {  	[spmem:s3] =	stream.indirect.scatter.add.f32 [tilespmem:s7], [sflag:$0x4], $0x40, s13, s31, $0xb8;
	[tilespmem:$0x1C000] =	vst v63  }
.LBB2_4:
0x164: {  	p1 =	sne.s32 s9, $0x4C;
	s15 =	sadd.s32 s1, s15;
	s24 =	sadd.s32 $0x80, s24  }
0x165: {  	[tilespmem:s30], [sflag:$0x7] =	stream.linear.gather [hbm4b:s15+s5], $0x100, $0x38;
	[tilespmem:$0x1C000] =	vst v63  }
0x166: {  	s15 =	smov.u32 s9;
	s9 =	sadd.s32 $0x4, s9;
	_ =	swait.ge [sflag:s4], $0x100  }
0x167: {  	[sflag:s4] =	ssyncset.done $0x0  }
0x168: {  	[sflag:s4] =	ssyncadd.s32 $0xFFFFFF00  }
0x169: {  	_ =	swait.ge [sflag:s14], $0x2000  }
0x16a: {  	[sflag:s14] =	ssyncset.done $0x0  }
0x16b: {  	[sflag:s14] =	ssyncadd.s32 $0xFFFFE000  }
0x16c: {  	[tilespmem:s7], [sflag:$0x2] =	stream.indirect.gather [spmem:s2], $0x40, s29, s31, $0xb8;
	[tilespmem:$0x1C000] =	vst v63  }
0x16d: {  	_ =	swait.ge [sflag:s8], $0x2000  }
0x16e: {  	[sflag:s8] =	ssyncset.done $0x0  }
0x16f: {  	[sflag:s8] =	ssyncadd.s32 $0xFFFFE000  }
0x170: {  	[spmem:s3] =	stream.indirect.scatter.add.f32 [tilespmem:s0], [sflag:$0x3], $0x40, s10, s31, $0xb8;
	[tilespmem:$0x1C000] =	vst v63  }
0x171: {  	_ = 	snop  }
0x172: {  	[tilespmem:s20], [sflag:$0x8] =	stream.linear.gather [hbm4b:s24+s5], $0x100, $0x38;
	[tilespmem:$0x1C000] =	vst v63  }
0x173: {  	_ =	swait.ge [sflag:s21], $0x100  }
0x174: {  	[sflag:s21] =	ssyncset.done $0x0  }
0x175: {  	[sflag:s21] =	ssyncadd.s32 $0xFFFFFF00  }
0x176: {  	_ =	swait.ge [sflag:s22], $0x2000  }
0x177: {  	[sflag:s22] =	ssyncset.done $0x0  }
0x178: {  	[sflag:s22] =	ssyncadd.s32 $0xFFFFE000  }
0x179: {  	[tilespmem:s0], [sflag:$0x1] =	stream.indirect.gather [spmem:s2], $0x40, s30, s31, $0xb8;
	[tilespmem:$0x1C000] =	vst v63  }
0x17a: {  	s16 =	smin.u32 s15, $0x4B;
	_ =	swait.ge [sflag:s23], $0x2000  }
0x17b: {  	s16 =	sshll.u32 s16, $0x8;
	[sflag:s23] =	ssyncset.done $0x0  }
0x17c: {  	s16 =	sadd.s32 s16, s17;
	[sflag:s23] =	ssyncadd.s32 $0xFFFFE000  }
0x17d: {  	[spmem:s3] =	stream.indirect.scatter.add.f32 [tilespmem:s7], [sflag:$0x4], $0x40, s25, s31, $0xb8;
	[tilespmem:$0x1C000] =	vst v63  }
0x17e: {  	s16 =	sshrl.u32 s16, $0x3  }
0x17f: {  	s16 =	sadd.s32 s1, s16  }
0x180: {  	[tilespmem:s26], [sflag:$0x5] =	stream.linear.gather [hbm4b:s16+s5], $0x100, $0x38;
	[tilespmem:$0x1C000] =	vst v63  }
0x181: {  	_ =	swait.ge [sflag:s6], $0x100  }
0x182: {  	[sflag:s6] =	ssyncset.done $0x0  }
0x183: {  	[sflag:s6] =	ssyncadd.s32 $0xFFFFFF00  }
0x184: {  	_ =	swait.ge [sflag:s14], $0x2000  }
0x185: {  	[sflag:s14] =	ssyncset.done $0x0  }
0x186: {  	s16 =	smin.u32 s15, $0x4A;
	[sflag:s14] =	ssyncadd.s32 $0xFFFFE000  }
0x187: {  	[tilespmem:s7], [sflag:$0x2] =	stream.indirect.gather [spmem:s2], $0x40, s20, s31, $0xb8;
	[tilespmem:$0x1C000] =	vst v63  }
0x188: {  	s16 =	sshll.u32 s16, $0x8;
	_ =	swait.ge [sflag:s8], $0x2000  }
0x189: {  	s16 =	sadd.s32 s16, s18;
	[sflag:s8] =	ssyncset.done $0x0  }
0x18a: {  	s16 =	sshrl.u32 s16, $0x3;
	[sflag:s8] =	ssyncadd.s32 $0xFFFFE000  }
0x18b: {  	[spmem:s3] =	stream.indirect.scatter.add.f32 [tilespmem:s0], [sflag:$0x3], $0x40, s11, s31, $0xb8;
	[tilespmem:$0x1C000] =	vst v63  }
0x18c: {  	s16 =	sadd.s32 s1, s16  }
0x18d: {  	[tilespmem:s29], [sflag:$0x6] =	stream.linear.gather [hbm4b:s16+s5], $0x100, $0x38;
	[tilespmem:$0x1C000] =	vst v63  }
0x18e: {  	_ =	swait.ge [sflag:s12], $0x100  }
0x18f: {  	[sflag:s12] =	ssyncset.done $0x0  }
0x190: {  	[sflag:s12] =	ssyncadd.s32 $0xFFFFFF00  }
0x191: {  	_ =	swait.ge [sflag:s22], $0x2000  }
0x192: {  	[sflag:s22] =	ssyncset.done $0x0  }
0x193: {  	s15 =	smin.u32 s15, $0x49;
	[sflag:s22] =	ssyncadd.s32 $0xFFFFE000  }
0x194: {  	[tilespmem:s0], [sflag:$0x1] =	stream.indirect.gather [spmem:s2], $0x40, s26, s31, $0xb8;
	[tilespmem:$0x1C000] =	vst v63  }
.Ltmp1:
0x195: {  	_ = 	snop;
	(pc) =	sbr.rel @p1 .LBB2_4-.Ltmp1, $4  }
0x196: {  	s15 =	sshll.u32 s15, $0x8;
	_ =	swait.ge [sflag:s23], $0x2000  }
0x197: {  	s15 =	sadd.s32 s15, s19;
	[sflag:s23] =	ssyncset.done $0x0  }
0x198: {  	s15 =	sshrl.u32 s15, $0x3;
	[sflag:s23] =	ssyncadd.s32 $0xFFFFE000  }
0x199: {  	[spmem:s3] =	stream.indirect.scatter.add.f32 [tilespmem:s7], [sflag:$0x4], $0x40, s13, s31, $0xb8;
	[tilespmem:$0x1C000] =	vst v63  }
0x19a: {  	s9 =	sadd.s32 s1, s15  }
0x19b: {  	[tilespmem:s30], [sflag:$0x7] =	stream.linear.gather [hbm4b:s9+s5], $0x100, $0x38;
	[tilespmem:$0x1C000] =	vst v63  }
0x19c: {  	_ =	swait.ge [sflag:s8], $0x2000  }
0x19d: {  	[sflag:s8] =	ssyncset.done $0x0  }
0x19e: {  	[sflag:s8] =	ssyncadd.s32 $0xFFFFE000  }
0x19f: {  	_ =	swait.ge [sflag:s14], $0x2000  }
0x1a0: {  	[sflag:s14] =	ssyncset.done $0x0  }
0x1a1: {  	[sflag:s14] =	ssyncadd.s32 $0xFFFFE000  }
0x1a2: {  	_ =	swait.ge [sflag:s4], $0x100  }
0x1a3: {  	[sflag:s4] =	ssyncset.done $0x0  }
0x1a4: {  	[sflag:s4] =	ssyncadd.s32 $0xFFFFFF00  }
0x1a5: {  	_ =	swait.ge [sflag:s21], $0x100  }
0x1a6: {  	[sflag:s21] =	ssyncset.done $0x0  }
0x1a7: {  	[sflag:s21] =	ssyncadd.s32 $0xFFFFFF00  }
0x1a8: {  	[bflag:$0x0] =	sbarrier.arrive $0xFFFF  }
0x1a9: {  	s9 =	rddreg [dreg:$0x12]  }
0x1aa: {  	s15 =	rddreg [dreg:$0x15]  }
0x1ab: {  	s16 =	rddreg [dreg:$0x17]  }
0x1ac: {  	[hbm:s9], [sflag:s16] =	dma.local @!p0 [spmem:s15], $0x3E80  }
0x1ad: {  	s9 =	simm.s32 @!p0 $0x9  }
0x1ae: {  	_ =	swait.ge @!p0 [sflag:s9], $0x3E80  }
0x1af: {  	s24 =	rddreg [dreg:$0x16]  }
0x1b0: {  	s28 =	rddreg [dreg:$0x13];
	s15 =	sadd.s32 $0x1, s24  }
0x1b1: {  	p1 =	sne.s32 s15, s28  }
.Ltmp2:
0x1b2: {  	_ = 	snop;
	(pc) =	sbr.rel @p1 .LBB2_1-.Ltmp2, $3  }
0x1b3: {  	[sflag:s9] =	ssyncset.done @!p0 $0x0  }
0x1b4: {  	[sflag:s9] =	ssyncadd.s32 @!p0 $0xFFFFC180  }
0x1b5: {  	[bflag:$0x0] =	sbarrier.arrive $0xFFFF;
	_ =	sdelay $0x1  }
0x1b6: {  	_ =	sfence.sel $0x180000  }
0x1b7: {  	[bflag:$0x0] =	sbarrier.arrive $0xFFFF  }
0x1b8: {  	_ =	strace $0x90000047  }
0x1b9: {  	s0 =	stileid.u32;
	[bflag:$0x2] =	sbarrier.arrive $0xFFFF  }
0x1ba: {  	p0 =	sne.s32 s0, $0x0;
	s0 =	rddreg [dreg:$0x4]  }
0x1bb: {  	s0 =	sadd.s32 @!p0 $0x100000, s0  }
0x1bc: {  	[sflag:s0] =	ssyncadd.tile.s32 @!p0 $0x1;
	_ =	shalt  }
.Lfunc_end2:
_tile_overlayer_lowered:
.L_overlay_start_2:
0x1bd: {  	(tag) =	ssettag $0x2  }
0x1be: {  	s0 =	rddreg [dreg:$0x0];
	s2 =	stileid.u32  }
0x1bf: {  	s1 =	rddreg [dreg:$0x1];
	p0 =	sne.s32 s2, $0x0  }
0x1c0: {  	s3 =	rddreg [dreg:$0x2];
	[bflag:$0x3] =	sbarrier.arrive $0xFFFF;
	s2 =	simm.s32 @!p0 $0x1C09  }
0x1c1: {  	[timem:s3], [sflag:s2] =	dma.local @!p0 [hbm:s0], s1  }
0x1c2: {  	s0 =	simm.s32 @!p0 $0x9  }
0x1c3: {  	_ =	swait.ge @!p0 [sflag:s0], s1  }
0x1c4: {  	s1 =	ssub.s32 @!p0 $0x0, s1;
	[sflag:s0] =	ssyncset.done @!p0 $0x0  }
0x1c5: {  	[sflag:s0] =	ssyncadd.s32 @!p0 s1  }
0x1c6: {  	[bflag:$0x3] =	sbarrier.arrive $0xFFFF  }
0x1c7: {  	_ =	shalt  }

</sc_bundles>
